<compile_context>
chip_gen: v7x
topology: tpu7x:2x2x1
jax: 0.10.2.dev20260603
libtpu: 0.0.44.dev20260713+nightly
codegen_flags: <defaults>
</compile_context>

<pallas_src>
import dataclasses
import functools

import jax
import jax.numpy as jnp
from jax import lax
from jax.experimental import pallas as pl
from jax.experimental.pallas import tpu as pltpu
from jax.experimental.pallas import tpu_sc as plsc

BB, N, D = 8, 1024, 128
H = 256
OUTD = 128
TOPK = 128
RB = 128
NRB = N // RB
NCHUNK = N * NRB
CAND = 256
SCALE = 0.0625
NEG = -1e30
L = 16


def _dotT(a, b):
    return lax.dot_general(a, b, (((1,), (1,)), ((), ())),
                           preferred_element_type=jnp.float32)


def _tc1_body(x_ref, Wqk_ref, bqk_ref, s_out, cm_out, tcm_out, x6_out, QK_ref):
    lane_d = lax.broadcasted_iota(jnp.int32, (RB, D), 1)
    def qk_blk(i, c):
        xb = x_ref[pl.ds(i * RB, RB), :]
        QK_ref[pl.ds(i * RB, RB), :] = _dotT(xb, Wqk_ref[...]) + bqk_ref[...][None, :]
        x6_out[pl.ds(i * RB, RB), :] = jnp.where(lane_d < 6, xb, 0.0)
        return c
    lax.fori_loop(0, NRB, qk_blk, 0)

    def t_blk(p, c):
        kb = QK_ref[pl.ds(p * RB, RB), H:2 * H]
        tb = _dotT(kb, QK_ref[:, 0:H])
        s_out[pl.ds(p * RB, RB), :] = tb
        ms = jnp.max(tb.reshape(RB, NRB, RB), axis=2)
        cm_out[:, pl.ds(p * RB, RB)] = lax.transpose(ms, (1, 0))
        return c
    lax.fori_loop(0, NRB, t_blk, 0)

    cm = cm_out[...]
    lo0 = jnp.min(cm)
    hi0 = jnp.max(cm) + 1.0
    def bis(i, lh):
        lo, hi = lh
        mid = (lo + hi) * 0.5
        cnt = jnp.sum((cm >= mid).astype(jnp.int32))
        ok = cnt >= TOPK
        return jnp.where(ok, mid, lo), jnp.where(ok, hi, mid)
    lo, _ = lax.fori_loop(0, 14, bis, (lo0, hi0))
    tcm_out[...] = jnp.full((1, RB), lo, dtype=jnp.float32)


def _tc1(x, Wqk, bqk):
    full = lambda shape: pl.BlockSpec(shape, lambda b: (0,) * len(shape))
    grid_spec = pltpu.PrefetchScalarGridSpec(
        num_scalar_prefetch=0,
        grid=(BB,),
        in_specs=[
            pl.BlockSpec((None, N, D), lambda b: (b, 0, 0)),
            full((2 * H, D)), full((2 * H,)),
        ],
        out_specs=[
            pl.BlockSpec((None, N, N), lambda b: (b, 0, 0)),
            pl.BlockSpec((None, NRB, N), lambda b: (b, 0, 0)),
            pl.BlockSpec((None, 1, RB), lambda b: (b, 0, 0)),
            pl.BlockSpec((None, N, D), lambda b: (b, 0, 0)),
        ],
        scratch_shapes=[
            pltpu.VMEM((N, 2 * H), jnp.float32),
        ],
    )
    return pl.pallas_call(
        _tc1_body,
        grid_spec=grid_spec,
        out_shape=[
            jax.ShapeDtypeStruct((BB, N, N), jnp.float32),
            jax.ShapeDtypeStruct((BB, NRB, N), jnp.float32),
            jax.ShapeDtypeStruct((BB, 1, RB), jnp.float32),
            jax.ShapeDtypeStruct((BB, N, D), jnp.float32),
        ],
    )(x, Wqk, bqk)


def _sc_select(S2, CM2, tcm2, x6p2):
    mesh = plsc.VectorSubcoreMesh(core_axis_name="c", subcore_axis_name="s")
    cp = pltpu.CompilerParams()
    if "needs_layout_passes" in pltpu.CompilerParams.__dataclass_fields__:
        cp = dataclasses.replace(cp, needs_layout_passes=False)

    QCM = NCHUNK // 4
    QCAP = CAND // 4

    @functools.partial(
        pl.kernel,
        compiler_params=cp,
        out_type=[
            jax.ShapeDtypeStruct((BB, CAND), jnp.float32),
            jax.ShapeDtypeStruct((BB, CAND), jnp.int32),
            jax.ShapeDtypeStruct((BB, CAND, 128), jnp.float32),
            jax.ShapeDtypeStruct((BB, CAND, 128), jnp.float32),
        ],
        mesh=mesh,
        scratch_types=[
            pltpu.VMEM((QCM,), jnp.float32),
            pltpu.VMEM((1, QCAP), jnp.int32),
            pltpu.VMEM((QCAP,), jnp.int32),
            pltpu.VMEM((QCAP, 128), jnp.float32),
            pltpu.VMEM((QCAP,), jnp.float32),
            pltpu.VMEM((QCAP,), jnp.int32),
            pltpu.VMEM((RB,), jnp.float32),
            pltpu.VMEM((1, QCAP), jnp.int32),
            pltpu.VMEM((1, QCAP), jnp.int32),
            pltpu.VMEM((QCAP, 128), jnp.float32),
            pltpu.VMEM((QCAP, 128), jnp.float32),
            pltpu.SemaphoreType.DMA,
        ],
    )
    def sel(S_hbm, CM_hbm, tcm_hbm, x6_hbm, ovals_hbm, oidx_hbm, oxi_hbm,
            oxj_hbm, cm_v, ids2d, fb_v, data_v, vals_v, idx_v, tcm_v,
            rows_i, rows_j, xi_v, xj_v, sem):
        cid = lax.axis_index("c")
        sid = lax.axis_index("s")
        b = cid * 4 + sid // 4
        w = sid % 4
        pltpu.sync_copy(CM_hbm.at[b, pl.ds(w * QCM, QCM)], cm_v)
        pltpu.sync_copy(tcm_hbm.at[b], tcm_v)
        t = tcm_v[pl.ds(0, L)][0]
        iota = lax.broadcasted_iota(jnp.int32, (L,), 0)

        @pl.loop(0, QCAP, step=L)
        def _(i):
            ids2d[0, pl.ds(i, L)] = b * NCHUNK + i + iota
            vals_v[pl.ds(i, L)] = jnp.full((L,), NEG, jnp.float32)
            idx_v[pl.ds(i, L)] = jnp.zeros((L,), jnp.int32)
            fb_v[pl.ds(i, L)] = jnp.zeros((L,), jnp.int32)

        def cm_scan(v, cnt):
            cmv = cm_v[pl.ds(v * L, L)]
            mask = cmv >= t
            idx = w * QCM + v * L + iota
            cidl = (idx & 1023) * NRB + (idx >> 10)
            pos = jnp.minimum(cnt + plsc.cumsum(mask.astype(jnp.int32)) - 1,
                              QCAP - 1)
            plsc.store_scatter(ids2d, [pos - pos, pos],
                               b * NCHUNK + cidl, mask=mask)
            plsc.store_scatter(fb_v, [pos],
                               (cidl & 7) * (RB * N) + (cidl >> 3),
                               mask=mask)
            return cnt + jnp.sum(mask.astype(jnp.int32))
        cnt = lax.fori_loop(0, QCM // L, cm_scan, jnp.int32(0))
        cnt = jnp.minimum(cnt, QCAP)

        pltpu.async_copy(S_hbm.at[ids2d.at[0]], data_v, sem).wait()

        def row_scan(r, ecnt):
            for j in range(128 // L):
                v = data_v[r, pl.ds(j * L, L)]
                mask = v >= t
                pos = jnp.minimum(
                    ecnt + plsc.cumsum(mask.astype(jnp.int32)) - 1, QCAP - 1)
                plsc.store_scatter(vals_v, [pos], v, mask=mask)
                plsc.store_scatter(idx_v, [pos], r * 128 + j * L + iota,
                                   mask=mask)
                ecnt = ecnt + jnp.sum(mask.astype(jnp.int32))
            return ecnt
        lax.fori_loop(0, cnt, row_scan, jnp.int32(0))

        @pl.loop(0, QCAP, step=L)
        def _(i):
            rv = idx_v[pl.ds(i, L)]
            fbv = plsc.load_gather(fb_v, [rv >> 7])
            fx = fbv + (rv & 127) * N
            idx_v[pl.ds(i, L)] = fx
            rows_i[0, pl.ds(i, L)] = b * N + (fx >> 10)
            rows_j[0, pl.ds(i, L)] = b * N + (fx & 1023)

        gi = pltpu.async_copy(x6_hbm.at[rows_i.at[0]], xi_v, sem)
        gi.wait()
        gj = pltpu.async_copy(x6_hbm.at[rows_j.at[0]], xj_v, sem)
        gj.wait()

        pltpu.sync_copy(vals_v, ovals_hbm.at[b, pl.ds(w * QCAP, QCAP)])
        pltpu.sync_copy(idx_v, oidx_hbm.at[b, pl.ds(w * QCAP, QCAP)])
        pltpu.sync_copy(xi_v, oxi_hbm.at[b, pl.ds(w * QCAP, QCAP)])
        pltpu.sync_copy(xj_v, oxj_hbm.at[b, pl.ds(w * QCAP, QCAP)])

    return sel(S2, CM2, tcm2, x6p2)


def _tc2_body(cv_ref, ci_ref, tcm_ref, xi_ref, xj_ref,
              phiW1_ref, phib1_ref, phiW2_ref, phib2_ref,
              xiW1_ref, xib1_ref, xiW2_ref, xib2_ref,
              rhoW1_ref, rhob1_ref, rhoW2_ref, rhob2_ref, out_ref):
    vals = cv_ref[...]
    idxv = ci_ref[...]
    tcm = tcm_ref[0, 0]

    lo0 = tcm
    hi0 = jnp.max(vals) + 1.0
    steps = (lax.broadcasted_iota(jnp.int32, (16, 1), 0).astype(jnp.float32)
             + 1.0) * (1.0 / 17.0)
    def bis(i, lh):
        lo, hi = lh
        mids = lo + (hi - lo) * steps
        cnts = jnp.sum((vals >= mids).astype(jnp.int32), axis=1, keepdims=True)
        ok = cnts >= TOPK
        lo2 = jnp.max(jnp.where(ok, mids, lo))
        hi2 = jnp.min(jnp.where(ok, hi, mids))
        return lo2, hi2
    lo, _ = lax.fori_loop(0, 10, bis, (lo0, hi0))

    kge = vals >= lo
    keq = vals == lo
    n_gt = jnp.sum((vals > lo).astype(jnp.int32))
    n_eq = jnp.sum(keq.astype(jnp.int32))
    fac = jnp.where(keq,
                    (TOPK - n_gt).astype(jnp.float32) / n_eq.astype(jnp.float32),
                    1.0) * kge.astype(jnp.float32)

    vmax = jnp.max(jnp.where(kge, vals, NEG))
    e = jnp.exp(vals - vmax) * fac
    w = e / jnp.sum(e)

    row = idxv // N
    col = idxv - row * N
    x_i = xi_ref[:, 0:6]
    x_j = xj_ref[:, 0:6]

    h_self = jnp.maximum(_dotT(x_i, phiW1_ref[...]) + phib1_ref[...][None, :], 0.0)
    f_self = _dotT(h_self, phiW2_ref[...]) + phib2_ref[...][None, :]
    pair = jnp.concatenate([x_i, x_j], axis=1)
    h_ns = jnp.maximum(_dotT(pair, xiW1_ref[...]) + xib1_ref[...][None, :], 0.0)
    f_ns = _dotT(h_ns, xiW2_ref[...]) + xib2_ref[...][None, :]

    selfm = (row == col).astype(jnp.float32)
    w_self = w * selfm
    w_ns = w * (1.0 - selfm)
    pooled = lax.dot_general(w_self, f_self, (((1,), (0,)), ((), ())),
                             preferred_element_type=jnp.float32) \
        + lax.dot_general(w_ns, f_ns, (((1,), (0,)), ((), ())),
                          preferred_element_type=jnp.float32)

    hr = jnp.maximum(_dotT(pooled, rhoW1_ref[...]) + rhob1_ref[...][None, :], 0.0)
    out_ref[...] = _dotT(hr, rhoW2_ref[...]) + rhob2_ref[...][None, :]


def _tc2(cv, ci, tcm, xi, xj, phiW1, phib1, phiW2, phib2,
         xiW1, xib1, xiW2, xib2, rhoW1, rhob1, rhoW2, rhob2):
    full = lambda shape: pl.BlockSpec(shape, lambda b: (0,) * len(shape))
    grid_spec = pltpu.PrefetchScalarGridSpec(
        num_scalar_prefetch=0,
        grid=(BB,),
        in_specs=[
            pl.BlockSpec((None, 1, CAND), lambda b: (b, 0, 0)),
            pl.BlockSpec((None, 1, CAND), lambda b: (b, 0, 0)),
            pl.BlockSpec((None, 1, RB), lambda b: (b, 0, 0)),
            pl.BlockSpec((None, CAND, 128), lambda b: (b, 0, 0)),
            pl.BlockSpec((None, CAND, 128), lambda b: (b, 0, 0)),
            full((H, 6)), full((H,)), full((H, H)), full((H,)),
            full((H, 12)), full((H,)), full((H, H)), full((H,)),
            full((H, H)), full((H,)), full((OUTD, H)), full((OUTD,)),
        ],
        out_specs=pl.BlockSpec((None, 1, OUTD), lambda b: (b, 0, 0)),
    )
    return pl.pallas_call(
        _tc2_body,
        grid_spec=grid_spec,
        out_shape=jax.ShapeDtypeStruct((BB, 1, OUTD), jnp.float32),
    )(cv, ci, tcm, xi, xj, phiW1, phib1, phiW2, phib2,
      xiW1, xib1, xiW2, xib2, rhoW1, rhob1, rhoW2, rhob2)


def kernel(x, Wq, bq, Wk, bk, phiW1, phib1, phiW2, phib2,
           xiW1, xib1, xiW2, xib2, rhoW1, rhob1, rhoW2, rhob2):
    Wqk = jnp.concatenate([Wq * SCALE, Wk], axis=0)
    bqk = jnp.concatenate([bq * SCALE, bk], axis=0)
    S, CM, tcm, x6p = _tc1(x, Wqk, bqk)
    S2 = S.reshape(BB * NCHUNK, 128)
    CM2 = CM.reshape(BB, NCHUNK)
    tcm2 = tcm.reshape(BB, RB)
    x6p2 = x6p.reshape(BB * N, D)
    cv, ci, xi, xj = _sc_select(S2, CM2, tcm2, x6p2)
    out3 = _tc2(cv.reshape(BB, 1, CAND), ci.reshape(BB, 1, CAND), tcm, xi, xj,
                phiW1, phib1, phiW2, phib2, xiW1, xib1, xiW2, xib2,
                rhoW1, rhob1, rhoW2, rhob2)
    return out3.reshape(BB, OUTD)

# --- scband reference (transcript-rebuilt; emitter-appended) ---
"""Pipeline reference for scband-relational-network-23553600651438 (READ-ONLY COPY).

The authoritative reference and input builder live on the scoring server;
editing this copy changes nothing except your own understanding.
"""

import jax, jax.numpy as jnp
import numpy as np

B, N, D = 8, 1024, 128
H = 256
OUT = 128
TOPK = 128


def _lin(k, out_d, in_d):
    return jax.random.normal(k, (out_d, in_d), dtype=jnp.float32) * (1.0 / np.sqrt(in_d))


def setup_inputs(seed: int = 0):
    key = jax.random.key(seed)
    ks = jax.random.split(key, 18)
    inp = {}
    inp['x'] = jax.random.normal(ks[0], (B, N, D), dtype=jnp.float32)
    inp['Wq'] = _lin(ks[1], H, D)
    inp['bq'] = jnp.zeros((H,), dtype=jnp.float32)
    inp['Wk'] = _lin(ks[2], H, D)
    inp['bk'] = jnp.zeros((H,), dtype=jnp.float32)
    inp['phiW1'] = _lin(ks[3], H, 6)
    inp['phib1'] = jnp.zeros((H,), dtype=jnp.float32)
    inp['phiW2'] = _lin(ks[4], H, H)
    inp['phib2'] = jnp.zeros((H,), dtype=jnp.float32)
    inp['xiW1'] = _lin(ks[5], H, 12)
    inp['xib1'] = jnp.zeros((H,), dtype=jnp.float32)
    inp['xiW2'] = _lin(ks[6], H, H)
    inp['xib2'] = jnp.zeros((H,), dtype=jnp.float32)
    inp['rhoW1'] = _lin(ks[7], H, H)
    inp['rhob1'] = jnp.zeros((H,), dtype=jnp.float32)
    inp['rhoW2'] = _lin(ks[8], OUT, H)
    inp['rhob2'] = jnp.zeros((OUT,), dtype=jnp.float32)
    return inp


def reference(x, Wq, bq, Wk, bk, phiW1, phib1, phiW2, phib2, xiW1, xib1, xiW2, xib2, rhoW1, rhob1, rhoW2, rhob2):
    Bn, L, Dn = x.shape
    proj_dim = Wq.shape[0]
    scale = float(np.sqrt(proj_dim))
    # padding mask: objects whose features are all-zero are padding
    pad = jnp.sum(jnp.abs(x), axis=-1) != 0
    Q = x @ Wq.T + bq
    Kp = x @ Wk.T + bk
    attn_scores = jnp.einsum('bld,bmd->blm', Q, Kp) / scale
    full_mask = pad[:, :, None] & pad[:, None, :]
    flat = attn_scores.reshape(Bn, -1)
    mflat = full_mask.reshape(Bn, -1)
    flat = jnp.where(mflat, flat, -jnp.inf)
    topk_vals, topk_idx = jax.lax.top_k(flat, TOPK)
    topk_weights = jax.nn.softmax(topk_vals, axis=-1)
    row_idx = topk_idx // L
    col_idx = topk_idx % L
    self_mask = (row_idx == col_idx)[..., None]
    x6 = x[:, :, :6]
    bidx = jnp.arange(Bn)[:, None]
    x_i = x6[bidx, row_idx]
    x_j = x6[bidx, col_idx]
    feat_self = jax.nn.relu(x_i @ phiW1.T + phib1) @ phiW2.T + phib2
    x_pair = jnp.concatenate([x_i, x_j], axis=-1)
    feat_nonself = jax.nn.relu(x_pair @ xiW1.T + xib1) @ xiW2.T + xib2
    interaction_feat = jnp.where(self_mask, feat_self, feat_nonself)
    pooled = jnp.sum(interaction_feat * topk_weights[..., None], axis=1)
    out = jax.nn.relu(pooled @ rhoW1.T + rhob1) @ rhoW2.T + rhob2
    return out

if __name__ == "__main__":
    import jax
    _d = setup_inputs()
    print(jax.jit(kernel)(*tuple(_d.values())))

</pallas_src>

<mosaic_0001>
#map = affine_map<(d0, d1) -> (0, 0)>
#map1 = affine_map<(d0, d1) -> (0, 0, 0)>
module attributes {stable_mosaic.version = 14 : i64} {
  func.func @sel(%arg0: i32, %arg1: i32, %arg2: memref<65536x128xf32, #tpu.memory_space<hbm>>, %arg3: memref<8x8192xf32, #tpu.memory_space<hbm>>, %arg4: memref<8x128xf32, #tpu.memory_space<hbm>>, %arg5: memref<8192x128xf32, #tpu.memory_space<hbm>>, %arg6: memref<8x256xf32, #tpu.memory_space<hbm>>, %arg7: memref<8x256xi32, #tpu.memory_space<hbm>>, %arg8: memref<8x256x128xf32, #tpu.memory_space<hbm>>, %arg9: memref<8x256x128xf32, #tpu.memory_space<hbm>>, %arg10: memref<2048xf32, #tpu.memory_space<vmem>>, %arg11: memref<1x64xi32, #tpu.memory_space<vmem>>, %arg12: memref<64xi32, #tpu.memory_space<vmem>>, %arg13: memref<64x128xf32, #tpu.memory_space<vmem>>, %arg14: memref<64xf32, #tpu.memory_space<vmem>>, %arg15: memref<64xi32, #tpu.memory_space<vmem>>, %arg16: memref<128xf32, #tpu.memory_space<vmem>>, %arg17: memref<1x64xi32, #tpu.memory_space<vmem>>, %arg18: memref<1x64xi32, #tpu.memory_space<vmem>>, %arg19: memref<64x128xf32, #tpu.memory_space<vmem>>, %arg20: memref<64x128xf32, #tpu.memory_space<vmem>>, %arg21: memref<!tpu.dma_semaphore, #tpu.memory_space<semaphore_mem>>) attributes {dimension_semantics = [#tpu.dimension_semantics<core_parallel>, #tpu.dimension_semantics<subcore_parallel>], iteration_bounds = array<i64: 2, 16>, scalar_prefetch = 0 : i64, scratch_operands = 12 : i64, tpu.core_type = #tpu.core_type<sc_vector_subcore>, window_params = [{transform_indices = #map}, {transform_indices = #map}, {transform_indices = #map}, {transform_indices = #map}, {transform_indices = #map}, {transform_indices = #map}, {transform_indices = #map1}, {transform_indices = #map1}]} {
    %mul3A = arith.constant 4 : i32
    %mul3A_0 = arith.muli %arg0, %mul3A : i32
    %jit3A = arith.constant 4 : i32
    %div3A = arith.divsi %arg1, %jit3A : i32
    %sign3A = arith.constant 0 : i32
    %sign3A_1 = arith.cmpi sgt, %arg1, %sign3A : i32
    %sign3A_2 = arith.extui %sign3A_1 : i1 to i32
    %sign3A_3 = arith.constant 0 : i32
    %sign3A_4 = arith.cmpi slt, %arg1, %sign3A_3 : i32
    %sign3A_5 = arith.extui %sign3A_4 : i1 to i32
    %sign3A_6 = arith.subi %sign3A_2, %sign3A_5 : i32
    %sign3A_7 = arith.constant 0 : i32
    %sign3A_8 = arith.cmpi sgt, %jit3A, %sign3A_7 : i32
    %sign3A_9 = arith.extui %sign3A_8 : i1 to i32
    %sign3A_10 = arith.constant 0 : i32
    %sign3A_11 = arith.cmpi slt, %jit3A, %sign3A_10 : i32
    %sign3A_12 = arith.extui %sign3A_11 : i1 to i32
    %sign3A_13 = arith.subi %sign3A_9, %sign3A_12 : i32
    %ne3A = arith.cmpi ne, %sign3A_6, %sign3A_13 : i32
    %rem3A = arith.remsi %arg1, %jit3A : i32
    %ne3A_14 = arith.constant 0 : i32
    %ne3A_15 = arith.cmpi ne, %rem3A, %ne3A_14 : i32
    %and3A = arith.andi %ne3A, %ne3A_15 : i1
    %sub3A = arith.constant 1 : i32
    %sub3A_16 = arith.subi %div3A, %sub3A : i32
    %select_n3A = arith.select %and3A, %sub3A_16, %div3A : i32
    %add3A = arith.addi %mul3A_0, %select_n3A : i32
    %jit3A_17 = arith.constant 4 : i32
    %eq3A = arith.constant 0 : i32
    %eq3A_18 = arith.cmpi eq, %jit3A_17, %eq3A : i32
    %jit3A_19 = arith.constant 1 : i32
    %select_n3A_20 = arith.select %eq3A_18, %jit3A_19, %jit3A_17 : i32
    %rem3A_21 = arith.remsi %arg1, %select_n3A_20 : i32
    %ne3A_22 = arith.constant 0 : i32
    %ne3A_23 = arith.cmpi ne, %rem3A_21, %ne3A_22 : i32
    %lt3A = arith.constant 0 : i32
    %lt3A_24 = arith.cmpi slt, %rem3A_21, %lt3A : i32
    %lt3A_25 = arith.constant 0 : i32
    %lt3A_26 = arith.cmpi slt, %select_n3A_20, %lt3A_25 : i32
    %ne3A_27 = arith.xori %lt3A_24, %lt3A_26 : i1
    %and3A_28 = arith.andi %ne3A_27, %ne3A_23 : i1
    %add3A_29 = arith.addi %rem3A_21, %select_n3A_20 : i32
    %select_n3A_30 = arith.select %and3A_28, %add3A_29, %rem3A_21 : i32
    %mul3A_31 = arith.constant 2048 : i32
    %mul3A_32 = arith.muli %select_n3A_30, %mul3A_31 : i32
    "tpu.region"() ({
      %run_scoped3A = tpu.sem_alloc : memref<!tpu.dma_semaphore, #tpu.memory_space<semaphore_mem>>
      %dma_start3A_110 = tpu.memref_slice %arg3[%add3A, %mul3A_32] : memref<8x8192xf32, #tpu.memory_space<hbm>> -> memref<1x2048xf32, #tpu.memory_space<hbm>>
      %dma_start3A_111 = tpu.memref_squeeze %dma_start3A_110 : memref<1x2048xf32, #tpu.memory_space<hbm>> -> memref<2048xf32, #tpu.memory_space<hbm>>
      %dma_start3A_112 = tpu.memref_slice %arg3[%add3A, %mul3A_32] : memref<8x8192xf32, #tpu.memory_space<hbm>> -> memref<1x2048xf32, #tpu.memory_space<hbm>>
      %dma_start3A_113 = tpu.memref_squeeze %dma_start3A_112 : memref<1x2048xf32, #tpu.memory_space<hbm>> -> memref<2048xf32, #tpu.memory_space<hbm>>
      tpu.enqueue_dma source(%dma_start3A_113 : memref<2048xf32, #tpu.memory_space<hbm>>) target(%arg10 : memref<2048xf32, #tpu.memory_space<vmem>>) target_semaphore(%run_scoped3A : memref<!tpu.dma_semaphore, #tpu.memory_space<semaphore_mem>>)
      %dma_wait3A_114 = tpu.memref_slice %arg3[%add3A, %mul3A_32] : memref<8x8192xf32, #tpu.memory_space<hbm>> -> memref<1x2048xf32, #tpu.memory_space<hbm>>
      %dma_wait3A_115 = tpu.memref_squeeze %dma_wait3A_114 : memref<1x2048xf32, #tpu.memory_space<hbm>> -> memref<2048xf32, #tpu.memory_space<hbm>>
      %dma_wait3A_116 = tpu.memref_slice %arg3[%add3A, %mul3A_32] : memref<8x8192xf32, #tpu.memory_space<hbm>> -> memref<1x2048xf32, #tpu.memory_space<hbm>>
      %dma_wait3A_117 = tpu.memref_squeeze %dma_wait3A_116 : memref<1x2048xf32, #tpu.memory_space<hbm>> -> memref<2048xf32, #tpu.memory_space<hbm>>
      tpu.wait_dma2 semaphore(%run_scoped3A : memref<!tpu.dma_semaphore, #tpu.memory_space<semaphore_mem>>) src(%dma_wait3A_117 : memref<2048xf32, #tpu.memory_space<hbm>>) dst(%arg10 : memref<2048xf32, #tpu.memory_space<vmem>>)
      tpu.yield
    }) : () -> ()
    "tpu.region"() ({
      %run_scoped3A = tpu.sem_alloc : memref<!tpu.dma_semaphore, #tpu.memory_space<semaphore_mem>>
      %dma_start3A_110 = arith.constant 0 : i32
      %dma_start3A_111 = tpu.memref_slice %arg4[%add3A, %dma_start3A_110] : memref<8x128xf32, #tpu.memory_space<hbm>> -> memref<1x128xf32, #tpu.memory_space<hbm>>
      %dma_start3A_112 = tpu.memref_squeeze %dma_start3A_111 : memref<1x128xf32, #tpu.memory_space<hbm>> -> memref<128xf32, #tpu.memory_space<hbm>>
      %dma_start3A_113 = arith.constant 0 : i32
      %dma_start3A_114 = tpu.memref_slice %arg4[%add3A, %dma_start3A_113] : memref<8x128xf32, #tpu.memory_space<hbm>> -> memref<1x128xf32, #tpu.memory_space<hbm>>
      %dma_start3A_115 = tpu.memref_squeeze %dma_start3A_114 : memref<1x128xf32, #tpu.memory_space<hbm>> -> memref<128xf32, #tpu.memory_space<hbm>>
      tpu.enqueue_dma source(%dma_start3A_115 : memref<128xf32, #tpu.memory_space<hbm>>) target(%arg16 : memref<128xf32, #tpu.memory_space<vmem>>) target_semaphore(%run_scoped3A : memref<!tpu.dma_semaphore, #tpu.memory_space<semaphore_mem>>)
      %dma_wait3A_116 = arith.constant 0 : i32
      %dma_wait3A_117 = tpu.memref_slice %arg4[%add3A, %dma_wait3A_116] : memref<8x128xf32, #tpu.memory_space<hbm>> -> memref<1x128xf32, #tpu.memory_space<hbm>>
      %dma_wait3A_118 = tpu.memref_squeeze %dma_wait3A_117 : memref<1x128xf32, #tpu.memory_space<hbm>> -> memref<128xf32, #tpu.memory_space<hbm>>
      %dma_wait3A_119 = arith.constant 0 : i32
      %dma_wait3A_120 = tpu.memref_slice %arg4[%add3A, %dma_wait3A_119] : memref<8x128xf32, #tpu.memory_space<hbm>> -> memref<1x128xf32, #tpu.memory_space<hbm>>
      %dma_wait3A_121 = tpu.memref_squeeze %dma_wait3A_120 : memref<1x128xf32, #tpu.memory_space<hbm>> -> memref<128xf32, #tpu.memory_space<hbm>>
      tpu.wait_dma2 semaphore(%run_scoped3A : memref<!tpu.dma_semaphore, #tpu.memory_space<semaphore_mem>>) src(%dma_wait3A_121 : memref<128xf32, #tpu.memory_space<hbm>>) dst(%arg16 : memref<128xf32, #tpu.memory_space<vmem>>)
      tpu.yield
    }) : () -> ()
    %get3A = arith.constant 0 : index
    %get3A_33 = tpu.vector_load %arg16[%get3A] {strides = array<i32>} : memref<128xf32, #tpu.memory_space<vmem>>, vector<16xf32>,
    %slice3A = vector.extract_strided_slice %get3A_33 {offsets = [0], sizes = [1], strides = [1]} : vector<16xf32> to vector<1xf32>
    %squeeze3A = vector.extract %slice3A[0] : f32 from vector<1xf32>
    %iota3A = tpu.iota {dimensions = array<i32: 0>} : vector<16xi32>
    %scan3A = arith.constant 0 : i32
    %scan3A_34 = arith.constant 4 : i32
    %scan3A_35 = arith.addi %scan3A, %scan3A_34 : i32
    %scan3A_36 = arith.constant 1 : i32
    scf.for %scan3A_110 = %scan3A to %scan3A_35 step %scan3A_36  : i32 {
      %mul3A_111 = arith.constant 16 : i32
      %mul3A_112 = arith.muli %scan3A_110, %mul3A_111 : i32
      %add3A_113 = arith.constant 0 : i32
      %add3A_114 = arith.addi %add3A_113, %mul3A_112 : i32
      %mul3A_115 = arith.constant 8192 : i32
      %mul3A_116 = arith.muli %add3A, %mul3A_115 : i32
      %add3A_117 = arith.addi %mul3A_116, %add3A_114 : i32
      %add3A_118 = vector.broadcast %add3A_117 : i32 to vector<16xi32>
      %add3A_119 = arith.addi %add3A_118, %iota3A : vector<16xi32>
      %swap3A = arith.constant 0 : i32
      %swap3A_120 = arith.index_cast %swap3A : i32 to index
      %swap3A_121 = arith.index_cast %add3A_114 : i32 to index
      %swap3A_122 = tpu.vector_load %arg11[%swap3A_120, %swap3A_121] {strides = array<i32>} : memref<1x64xi32, #tpu.memory_space<vmem>>, vector<16xi32>,
      tpu.vector_store %arg11[%swap3A_120, %swap3A_121], %add3A_119 {strides = array<i32>} : memref<1x64xi32, #tpu.memory_space<vmem>>, vector<16xi32>,
      %broadcast_in_dim3A = arith.constant -1.000000e+30 : f32
      %broadcast_in_dim3A_123 = vector.broadcast %broadcast_in_dim3A : f32 to vector<16xf32>
      %swap3A_124 = arith.index_cast %add3A_114 : i32 to index
      %swap3A_125 = tpu.vector_load %arg14[%swap3A_124] {strides = array<i32>} : memref<64xf32, #tpu.memory_space<vmem>>, vector<16xf32>,
      tpu.vector_store %arg14[%swap3A_124], %broadcast_in_dim3A_123 {strides = array<i32>} : memref<64xf32, #tpu.memory_space<vmem>>, vector<16xf32>,
      %broadcast_in_dim3A_126 = arith.constant 0 : i32
      %broadcast_in_dim3A_127 = vector.broadcast %broadcast_in_dim3A_126 : i32 to vector<16xi32>
      %swap3A_128 = arith.index_cast %add3A_114 : i32 to index
      %swap3A_129 = tpu.vector_load %arg15[%swap3A_128] {strides = array<i32>} : memref<64xi32, #tpu.memory_space<vmem>>, vector<16xi32>,
      tpu.vector_store %arg15[%swap3A_128], %broadcast_in_dim3A_127 {strides = array<i32>} : memref<64xi32, #tpu.memory_space<vmem>>, vector<16xi32>,
      %broadcast_in_dim3A_130 = arith.constant 0 : i32
      %broadcast_in_dim3A_131 = vector.broadcast %broadcast_in_dim3A_130 : i32 to vector<16xi32>
      %swap3A_132 = arith.index_cast %add3A_114 : i32 to index
      %swap3A_133 = tpu.vector_load %arg12[%swap3A_132] {strides = array<i32>} : memref<64xi32, #tpu.memory_space<vmem>>, vector<16xi32>,
      tpu.vector_store %arg12[%swap3A_132], %broadcast_in_dim3A_131 {strides = array<i32>} : memref<64xi32, #tpu.memory_space<vmem>>, vector<16xi32>,
    }
    %scan3A_37 = arith.constant 4 : i32
    %scan3A_38 = arith.constant 0 : i32
    %scan3A_39 = arith.constant 0 : i32
    %scan3A_40 = arith.constant 128 : i32
    %scan3A_41 = arith.addi %scan3A_39, %scan3A_40 : i32
    %scan3A_42 = arith.constant 1 : i32
    %scan3A_43 = scf.for %scan3A_110 = %scan3A_39 to %scan3A_41 step %scan3A_42 iter_args(%scan3A_111 = %scan3A_38) -> (i32)  : i32 {
      %mul3A_112 = arith.constant 16 : i32
      %mul3A_113 = arith.muli %scan3A_110, %mul3A_112 : i32
      %get3A_114 = arith.index_cast %mul3A_113 : i32 to index
      %get3A_115 = tpu.vector_load %arg10[%get3A_114] {strides = array<i32>} : memref<2048xf32, #tpu.memory_space<vmem>>, vector<16xf32>,
      %ge3A = vector.broadcast %squeeze3A : f32 to vector<16xf32>
      %ge3A_116 = arith.cmpf oge, %get3A_115, %ge3A : vector<16xf32>
      %mul3A_117 = arith.constant 2048 : i32
      %mul3A_118 = arith.muli %select_n3A_30, %mul3A_117 : i32
      %mul3A_119 = arith.constant 16 : i32
      %mul3A_120 = arith.muli %scan3A_110, %mul3A_119 : i32
      %add3A_121 = arith.addi %mul3A_118, %mul3A_120 : i32
      %add3A_122 = vector.broadcast %add3A_121 : i32 to vector<16xi32>
      %add3A_123 = arith.addi %add3A_122, %iota3A : vector<16xi32>
      %and3A_124 = arith.constant 1023 : i32
      %and3A_125 = vector.broadcast %and3A_124 : i32 to vector<16xi32>
      %and3A_126 = arith.andi %add3A_123, %and3A_125 : vector<16xi32>
      %mul3A_127 = arith.constant 8 : i32
      %mul3A_128 = vector.broadcast %mul3A_127 : i32 to vector<16xi32>
      %mul3A_129 = arith.muli %and3A_126, %mul3A_128 : vector<16xi32>
      %shift_right_arithmetic3A = arith.constant 10 : i32
      %shift_right_arithmetic3A_130 = vector.broadcast %shift_right_arithmetic3A : i32 to vector<16xi32>
      %shift_right_arithmetic3A_131 = arith.shrsi %add3A_123, %shift_right_arithmetic3A_130 : vector<16xi32>
      %add3A_132 = arith.addi %mul3A_129, %shift_right_arithmetic3A_131 : vector<16xi32>
      %convert_element_type3A = arith.extui %ge3A_116 : vector<16xi1> to vector<16xi32>
      %broadcast_in_dim3A = arith.constant true
      %broadcast_in_dim3A_133 = vector.broadcast %broadcast_in_dim3A : i1 to vector<16xi1>
      %masked_cumsum3A = tpu.scan <sum>, %convert_element_type3A masked %broadcast_in_dim3A_133 : vector<16xi32>, vector<16xi1> -> vector<16xi32>
      %add3A_134 = vector.broadcast %scan3A_111 : i32 to vector<16xi32>
      %add3A_135 = arith.addi %add3A_134, %masked_cumsum3A : vector<16xi32>
      %sub3A_136 = arith.constant 1 : i32
      %sub3A_137 = vector.broadcast %sub3A_136 : i32 to vector<16xi32>
      %sub3A_138 = arith.subi %add3A_135, %sub3A_137 : vector<16xi32>
      %min3A_139 = arith.constant 63 : i32
      %min3A_140 = vector.broadcast %min3A_139 : i32 to vector<16xi32>
      %min3A_141 = arith.minsi %sub3A_138, %min3A_140 : vector<16xi32>
      %sub3A_142 = arith.subi %min3A_141, %min3A_141 : vector<16xi32>
      %mul3A_143 = arith.constant 8192 : i32
      %mul3A_144 = arith.muli %add3A, %mul3A_143 : i32
      %add3A_145 = vector.broadcast %mul3A_144 : i32 to vector<16xi32>
      %add3A_146 = arith.addi %add3A_145, %add3A_132 : vector<16xi32>
      tpu.vector_store_idx %arg11[%sub3A_142, %min3A_141], %add3A_146 masked %ge3A_116 : memref<1x64xi32, #tpu.memory_space<vmem>>[vector<16xi32>, vector<16xi32>], vector<16xi32>, vector<16xi1>
      %and3A_147 = arith.constant 7 : i32
      %and3A_148 = vector.broadcast %and3A_147 : i32 to vector<16xi32>
      %and3A_149 = arith.andi %add3A_132, %and3A_148 : vector<16xi32>
      %mul3A_150 = arith.constant 131072 : i32
      %mul3A_151 = vector.broadcast %mul3A_150 : i32 to vector<16xi32>
      %mul3A_152 = arith.muli %and3A_149, %mul3A_151 : vector<16xi32>
      %shift_right_arithmetic3A_153 = arith.constant 3 : i32
      %shift_right_arithmetic3A_154 = vector.broadcast %shift_right_arithmetic3A_153 : i32 to vector<16xi32>
      %shift_right_arithmetic3A_155 = arith.shrsi %add3A_132, %shift_right_arithmetic3A_154 : vector<16xi32>
      %add3A_156 = arith.addi %mul3A_152, %shift_right_arithmetic3A_155 : vector<16xi32>
      tpu.vector_store_idx %arg12[%min3A_141], %add3A_156 masked %ge3A_116 : memref<64xi32, #tpu.memory_space<vmem>>[vector<16xi32>], vector<16xi32>, vector<16xi1>
      %convert_element_type3A_157 = arith.extui %ge3A_116 : vector<16xi1> to vector<16xi32>
      %reduce_sum3A = arith.constant true
      %reduce_sum3A_158 = vector.broadcast %reduce_sum3A : i1 to vector<16xi1>
      %reduce_sum3A_159 = tpu.scan <sum>, %convert_element_type3A_157 masked %reduce_sum3A_158 : vector<16xi32>, vector<16xi1> -> vector<16xi32>
      %reduce_sum3A_160 = vector.extract %reduce_sum3A_159[15] : i32 from vector<16xi32>
      %add3A_161 = arith.addi %scan3A_111, %reduce_sum3A_160 : i32
      scf.yield %add3A_161 : i32
    }
    %scan3A_44 = arith.constant 128 : i32
    %min3A = arith.constant 64 : i32
    %min3A_45 = arith.minsi %scan3A_43, %min3A : i32
    %dma_start3A = arith.constant 0 : i32
    %dma_start3A_46 = arith.constant 0 : i32
    %dma_start3A_47 = tpu.memref_slice %arg11[%dma_start3A, %dma_start3A_46] : memref<1x64xi32, #tpu.memory_space<vmem>> -> memref<1x64xi32, #tpu.memory_space<vmem>>
    %dma_start3A_48 = tpu.memref_squeeze %dma_start3A_47 : memref<1x64xi32, #tpu.memory_space<vmem>> -> memref<64xi32, #tpu.memory_space<vmem>>
    %dma_start3A_49 = arith.constant 0 : i32
    %dma_start3A_50 = arith.constant 0 : i32
    %dma_start3A_51 = tpu.memref_slice %arg2[%dma_start3A_49, %dma_start3A_50] : memref<65536x128xf32, #tpu.memory_space<hbm>> -> memref<65536x128xf32, #tpu.memory_space<hbm>>
    tpu.enqueue_indirect_dma source(%dma_start3A_51 : memref<65536x128xf32, #tpu.memory_space<hbm>>) target(%arg13 : memref<64x128xf32, #tpu.memory_space<vmem>>) offsets(%dma_start3A_48 : memref<64xi32, #tpu.memory_space<vmem>>) semaphore(%arg21 : memref<!tpu.dma_semaphore, #tpu.memory_space<semaphore_mem>>)
    %dma_wait3A = arith.constant 0 : i32
    %dma_wait3A_52 = arith.constant 0 : i32
    %dma_wait3A_53 = tpu.memref_slice %arg11[%dma_wait3A, %dma_wait3A_52] : memref<1x64xi32, #tpu.memory_space<vmem>> -> memref<1x64xi32, #tpu.memory_space<vmem>>
    %dma_wait3A_54 = tpu.memref_squeeze %dma_wait3A_53 : memref<1x64xi32, #tpu.memory_space<vmem>> -> memref<64xi32, #tpu.memory_space<vmem>>
    %dma_wait3A_55 = arith.constant 0 : i32
    %dma_wait3A_56 = arith.constant 0 : i32
    %dma_wait3A_57 = tpu.memref_slice %arg2[%dma_wait3A_55, %dma_wait3A_56] : memref<65536x128xf32, #tpu.memory_space<hbm>> -> memref<65536x128xf32, #tpu.memory_space<hbm>>
    tpu.wait_indirect_dma semaphore(%arg21 : memref<!tpu.dma_semaphore, #tpu.memory_space<semaphore_mem>>) src(%dma_wait3A_57 : memref<65536x128xf32, #tpu.memory_space<hbm>>) dst(%arg13 : memref<64x128xf32, #tpu.memory_space<vmem>>)
    %while3A = arith.constant 0 : i32
    %while3A_58 = arith.constant 0 : i32
    %while3A_59 = arith.subi %min3A_45, %while3A : i32
    %while3A_60 = arith.addi %while3A, %while3A_59 : i32
    %while3A_61 = arith.constant 1 : i32
    %while3A_62 = arith.divsi %while3A_59, %while3A_61 : i32
    %while3A_63 = arith.muli %while3A_62, %while3A_61 : i32
    %while3A_64 = arith.addi %while3A, %while3A_63 : i32
    %while3A_65 = arith.constant 1 : i32
    %while3A_66 = scf.for %while3A_110 = %while3A to %while3A_64 step %while3A_65 iter_args(%while3A_111 = %while3A_58) -> (i32)  : i32 {
      %get3A_112 = arith.index_cast %while3A_110 : i32 to index
      %get3A_113 = arith.constant 0 : index
      %get3A_114 = tpu.vector_load %arg13[%get3A_112, %get3A_113] {strides = array<i32>} : memref<64x128xf32, #tpu.memory_space<vmem>>, vector<16xf32>,
      %ge3A = vector.broadcast %squeeze3A : f32 to vector<16xf32>
      %ge3A_115 = arith.cmpf oge, %get3A_114, %ge3A : vector<16xf32>
      %convert_element_type3A = arith.extui %ge3A_115 : vector<16xi1> to vector<16xi32>
      %broadcast_in_dim3A = arith.constant true
      %broadcast_in_dim3A_116 = vector.broadcast %broadcast_in_dim3A : i1 to vector<16xi1>
      %masked_cumsum3A = tpu.scan <sum>, %convert_element_type3A masked %broadcast_in_dim3A_116 : vector<16xi32>, vector<16xi1> -> vector<16xi32>
      %add3A_117 = vector.broadcast %while3A_111 : i32 to vector<16xi32>
      %add3A_118 = arith.addi %add3A_117, %masked_cumsum3A : vector<16xi32>
      %sub3A_119 = arith.constant 1 : i32
      %sub3A_120 = vector.broadcast %sub3A_119 : i32 to vector<16xi32>
      %sub3A_121 = arith.subi %add3A_118, %sub3A_120 : vector<16xi32>
      %min3A_122 = arith.constant 63 : i32
      %min3A_123 = vector.broadcast %min3A_122 : i32 to vector<16xi32>
      %min3A_124 = arith.minsi %sub3A_121, %min3A_123 : vector<16xi32>
      tpu.vector_store_idx %arg14[%min3A_124], %get3A_114 masked %ge3A_115 : memref<64xf32, #tpu.memory_space<vmem>>[vector<16xi32>], vector<16xf32>, vector<16xi1>
      %mul3A_125 = arith.constant 128 : i32
      %mul3A_126 = arith.muli %while3A_110, %mul3A_125 : i32
      %add3A_127 = arith.constant 0 : i32
      %add3A_128 = arith.addi %mul3A_126, %add3A_127 : i32
      %add3A_129 = vector.broadcast %add3A_128 : i32 to vector<16xi32>
      %add3A_130 = arith.addi %add3A_129, %iota3A : vector<16xi32>
      tpu.vector_store_idx %arg15[%min3A_124], %add3A_130 masked %ge3A_115 : memref<64xi32, #tpu.memory_space<vmem>>[vector<16xi32>], vector<16xi32>, vector<16xi1>
      %convert_element_type3A_131 = arith.extui %ge3A_115 : vector<16xi1> to vector<16xi32>
      %reduce_sum3A = arith.constant true
      %reduce_sum3A_132 = vector.broadcast %reduce_sum3A : i1 to vector<16xi1>
      %reduce_sum3A_133 = tpu.scan <sum>, %convert_element_type3A_131 masked %reduce_sum3A_132 : vector<16xi32>, vector<16xi1> -> vector<16xi32>
      %reduce_sum3A_134 = vector.extract %reduce_sum3A_133[15] : i32 from vector<16xi32>
      %add3A_135 = arith.addi %while3A_111, %reduce_sum3A_134 : i32
      %get3A_136 = arith.index_cast %while3A_110 : i32 to index
      %get3A_137 = arith.constant 16 : index
      %get3A_138 = tpu.vector_load %arg13[%get3A_136, %get3A_137] {strides = array<i32>} : memref<64x128xf32, #tpu.memory_space<vmem>>, vector<16xf32>,
      %ge3A_139 = vector.broadcast %squeeze3A : f32 to vector<16xf32>
      %ge3A_140 = arith.cmpf oge, %get3A_138, %ge3A_139 : vector<16xf32>
      %convert_element_type3A_141 = arith.extui %ge3A_140 : vector<16xi1> to vector<16xi32>
      %broadcast_in_dim3A_142 = arith.constant true
      %broadcast_in_dim3A_143 = vector.broadcast %broadcast_in_dim3A_142 : i1 to vector<16xi1>
      %masked_cumsum3A_144 = tpu.scan <sum>, %convert_element_type3A_141 masked %broadcast_in_dim3A_143 : vector<16xi32>, vector<16xi1> -> vector<16xi32>
      %add3A_145 = vector.broadcast %add3A_135 : i32 to vector<16xi32>
      %add3A_146 = arith.addi %add3A_145, %masked_cumsum3A_144 : vector<16xi32>
      %sub3A_147 = arith.constant 1 : i32
      %sub3A_148 = vector.broadcast %sub3A_147 : i32 to vector<16xi32>
      %sub3A_149 = arith.subi %add3A_146, %sub3A_148 : vector<16xi32>
      %min3A_150 = arith.constant 63 : i32
      %min3A_151 = vector.broadcast %min3A_150 : i32 to vector<16xi32>
      %min3A_152 = arith.minsi %sub3A_149, %min3A_151 : vector<16xi32>
      tpu.vector_store_idx %arg14[%min3A_152], %get3A_138 masked %ge3A_140 : memref<64xf32, #tpu.memory_space<vmem>>[vector<16xi32>], vector<16xf32>, vector<16xi1>
      %mul3A_153 = arith.constant 128 : i32
      %mul3A_154 = arith.muli %while3A_110, %mul3A_153 : i32
      %add3A_155 = arith.constant 16 : i32
      %add3A_156 = arith.addi %mul3A_154, %add3A_155 : i32
      %add3A_157 = vector.broadcast %add3A_156 : i32 to vector<16xi32>
      %add3A_158 = arith.addi %add3A_157, %iota3A : vector<16xi32>
      tpu.vector_store_idx %arg15[%min3A_152], %add3A_158 masked %ge3A_140 : memref<64xi32, #tpu.memory_space<vmem>>[vector<16xi32>], vector<16xi32>, vector<16xi1>
      %convert_element_type3A_159 = arith.extui %ge3A_140 : vector<16xi1> to vector<16xi32>
      %reduce_sum3A_160 = arith.constant true
      %reduce_sum3A_161 = vector.broadcast %reduce_sum3A_160 : i1 to vector<16xi1>
      %reduce_sum3A_162 = tpu.scan <sum>, %convert_element_type3A_159 masked %reduce_sum3A_161 : vector<16xi32>, vector<16xi1> -> vector<16xi32>
      %reduce_sum3A_163 = vector.extract %reduce_sum3A_162[15] : i32 from vector<16xi32>
      %add3A_164 = arith.addi %add3A_135, %reduce_sum3A_163 : i32
      %get3A_165 = arith.index_cast %while3A_110 : i32 to index
      %get3A_166 = arith.constant 32 : index
      %get3A_167 = tpu.vector_load %arg13[%get3A_165, %get3A_166] {strides = array<i32>} : memref<64x128xf32, #tpu.memory_space<vmem>>, vector<16xf32>,
      %ge3A_168 = vector.broadcast %squeeze3A : f32 to vector<16xf32>
      %ge3A_169 = arith.cmpf oge, %get3A_167, %ge3A_168 : vector<16xf32>
      %convert_element_type3A_170 = arith.extui %ge3A_169 : vector<16xi1> to vector<16xi32>
      %broadcast_in_dim3A_171 = arith.constant true
      %broadcast_in_dim3A_172 = vector.broadcast %broadcast_in_dim3A_171 : i1 to vector<16xi1>
      %masked_cumsum3A_173 = tpu.scan <sum>, %convert_element_type3A_170 masked %broadcast_in_dim3A_172 : vector<16xi32>, vector<16xi1> -> vector<16xi32>
      %add3A_174 = vector.broadcast %add3A_164 : i32 to vector<16xi32>
      %add3A_175 = arith.addi %add3A_174, %masked_cumsum3A_173 : vector<16xi32>
      %sub3A_176 = arith.constant 1 : i32
      %sub3A_177 = vector.broadcast %sub3A_176 : i32 to vector<16xi32>
      %sub3A_178 = arith.subi %add3A_175, %sub3A_177 : vector<16xi32>
      %min3A_179 = arith.constant 63 : i32
      %min3A_180 = vector.broadcast %min3A_179 : i32 to vector<16xi32>
      %min3A_181 = arith.minsi %sub3A_178, %min3A_180 : vector<16xi32>
      tpu.vector_store_idx %arg14[%min3A_181], %get3A_167 masked %ge3A_169 : memref<64xf32, #tpu.memory_space<vmem>>[vector<16xi32>], vector<16xf32>, vector<16xi1>
      %mul3A_182 = arith.constant 128 : i32
      %mul3A_183 = arith.muli %while3A_110, %mul3A_182 : i32
      %add3A_184 = arith.constant 32 : i32
      %add3A_185 = arith.addi %mul3A_183, %add3A_184 : i32
      %add3A_186 = vector.broadcast %add3A_185 : i32 to vector<16xi32>
      %add3A_187 = arith.addi %add3A_186, %iota3A : vector<16xi32>
      tpu.vector_store_idx %arg15[%min3A_181], %add3A_187 masked %ge3A_169 : memref<64xi32, #tpu.memory_space<vmem>>[vector<16xi32>], vector<16xi32>, vector<16xi1>
      %convert_element_type3A_188 = arith.extui %ge3A_169 : vector<16xi1> to vector<16xi32>
      %reduce_sum3A_189 = arith.constant true
      %reduce_sum3A_190 = vector.broadcast %reduce_sum3A_189 : i1 to vector<16xi1>
      %reduce_sum3A_191 = tpu.scan <sum>, %convert_element_type3A_188 masked %reduce_sum3A_190 : vector<16xi32>, vector<16xi1> -> vector<16xi32>
      %reduce_sum3A_192 = vector.extract %reduce_sum3A_191[15] : i32 from vector<16xi32>
      %add3A_193 = arith.addi %add3A_164, %reduce_sum3A_192 : i32
      %get3A_194 = arith.index_cast %while3A_110 : i32 to index
      %get3A_195 = arith.constant 48 : index
      %get3A_196 = tpu.vector_load %arg13[%get3A_194, %get3A_195] {strides = array<i32>} : memref<64x128xf32, #tpu.memory_space<vmem>>, vector<16xf32>,
      %ge3A_197 = vector.broadcast %squeeze3A : f32 to vector<16xf32>
      %ge3A_198 = arith.cmpf oge, %get3A_196, %ge3A_197 : vector<16xf32>
      %convert_element_type3A_199 = arith.extui %ge3A_198 : vector<16xi1> to vector<16xi32>
      %broadcast_in_dim3A_200 = arith.constant true
      %broadcast_in_dim3A_201 = vector.broadcast %broadcast_in_dim3A_200 : i1 to vector<16xi1>
      %masked_cumsum3A_202 = tpu.scan <sum>, %convert_element_type3A_199 masked %broadcast_in_dim3A_201 : vector<16xi32>, vector<16xi1> -> vector<16xi32>
      %add3A_203 = vector.broadcast %add3A_193 : i32 to vector<16xi32>
      %add3A_204 = arith.addi %add3A_203, %masked_cumsum3A_202 : vector<16xi32>
      %sub3A_205 = arith.constant 1 : i32
      %sub3A_206 = vector.broadcast %sub3A_205 : i32 to vector<16xi32>
      %sub3A_207 = arith.subi %add3A_204, %sub3A_206 : vector<16xi32>
      %min3A_208 = arith.constant 63 : i32
      %min3A_209 = vector.broadcast %min3A_208 : i32 to vector<16xi32>
      %min3A_210 = arith.minsi %sub3A_207, %min3A_209 : vector<16xi32>
      tpu.vector_store_idx %arg14[%min3A_210], %get3A_196 masked %ge3A_198 : memref<64xf32, #tpu.memory_space<vmem>>[vector<16xi32>], vector<16xf32>, vector<16xi1>
      %mul3A_211 = arith.constant 128 : i32
      %mul3A_212 = arith.muli %while3A_110, %mul3A_211 : i32
      %add3A_213 = arith.constant 48 : i32
      %add3A_214 = arith.addi %mul3A_212, %add3A_213 : i32
      %add3A_215 = vector.broadcast %add3A_214 : i32 to vector<16xi32>
      %add3A_216 = arith.addi %add3A_215, %iota3A : vector<16xi32>
      tpu.vector_store_idx %arg15[%min3A_210], %add3A_216 masked %ge3A_198 : memref<64xi32, #tpu.memory_space<vmem>>[vector<16xi32>], vector<16xi32>, vector<16xi1>
      %convert_element_type3A_217 = arith.extui %ge3A_198 : vector<16xi1> to vector<16xi32>
      %reduce_sum3A_218 = arith.constant true
      %reduce_sum3A_219 = vector.broadcast %reduce_sum3A_218 : i1 to vector<16xi1>
      %reduce_sum3A_220 = tpu.scan <sum>, %convert_element_type3A_217 masked %reduce_sum3A_219 : vector<16xi32>, vector<16xi1> -> vector<16xi32>
      %reduce_sum3A_221 = vector.extract %reduce_sum3A_220[15] : i32 from vector<16xi32>
      %add3A_222 = arith.addi %add3A_193, %reduce_sum3A_221 : i32
      %get3A_223 = arith.index_cast %while3A_110 : i32 to index
      %get3A_224 = arith.constant 64 : index
      %get3A_225 = tpu.vector_load %arg13[%get3A_223, %get3A_224] {strides = array<i32>} : memref<64x128xf32, #tpu.memory_space<vmem>>, vector<16xf32>,
      %ge3A_226 = vector.broadcast %squeeze3A : f32 to vector<16xf32>
      %ge3A_227 = arith.cmpf oge, %get3A_225, %ge3A_226 : vector<16xf32>
      %convert_element_type3A_228 = arith.extui %ge3A_227 : vector<16xi1> to vector<16xi32>
      %broadcast_in_dim3A_229 = arith.constant true
      %broadcast_in_dim3A_230 = vector.broadcast %broadcast_in_dim3A_229 : i1 to vector<16xi1>
      %masked_cumsum3A_231 = tpu.scan <sum>, %convert_element_type3A_228 masked %broadcast_in_dim3A_230 : vector<16xi32>, vector<16xi1> -> vector<16xi32>
      %add3A_232 = vector.broadcast %add3A_222 : i32 to vector<16xi32>
      %add3A_233 = arith.addi %add3A_232, %masked_cumsum3A_231 : vector<16xi32>
      %sub3A_234 = arith.constant 1 : i32
      %sub3A_235 = vector.broadcast %sub3A_234 : i32 to vector<16xi32>
      %sub3A_236 = arith.subi %add3A_233, %sub3A_235 : vector<16xi32>
      %min3A_237 = arith.constant 63 : i32
      %min3A_238 = vector.broadcast %min3A_237 : i32 to vector<16xi32>
      %min3A_239 = arith.minsi %sub3A_236, %min3A_238 : vector<16xi32>
      tpu.vector_store_idx %arg14[%min3A_239], %get3A_225 masked %ge3A_227 : memref<64xf32, #tpu.memory_space<vmem>>[vector<16xi32>], vector<16xf32>, vector<16xi1>
      %mul3A_240 = arith.constant 128 : i32
      %mul3A_241 = arith.muli %while3A_110, %mul3A_240 : i32
      %add3A_242 = arith.constant 64 : i32
      %add3A_243 = arith.addi %mul3A_241, %add3A_242 : i32
      %add3A_244 = vector.broadcast %add3A_243 : i32 to vector<16xi32>
      %add3A_245 = arith.addi %add3A_244, %iota3A : vector<16xi32>
      tpu.vector_store_idx %arg15[%min3A_239], %add3A_245 masked %ge3A_227 : memref<64xi32, #tpu.memory_space<vmem>>[vector<16xi32>], vector<16xi32>, vector<16xi1>
      %convert_element_type3A_246 = arith.extui %ge3A_227 : vector<16xi1> to vector<16xi32>
      %reduce_sum3A_247 = arith.constant true
      %reduce_sum3A_248 = vector.broadcast %reduce_sum3A_247 : i1 to vector<16xi1>
      %reduce_sum3A_249 = tpu.scan <sum>, %convert_element_type3A_246 masked %reduce_sum3A_248 : vector<16xi32>, vector<16xi1> -> vector<16xi32>
      %reduce_sum3A_250 = vector.extract %reduce_sum3A_249[15] : i32 from vector<16xi32>
      %add3A_251 = arith.addi %add3A_222, %reduce_sum3A_250 : i32
      %get3A_252 = arith.index_cast %while3A_110 : i32 to index
      %get3A_253 = arith.constant 80 : index
      %get3A_254 = tpu.vector_load %arg13[%get3A_252, %get3A_253] {strides = array<i32>} : memref<64x128xf32, #tpu.memory_space<vmem>>, vector<16xf32>,
      %ge3A_255 = vector.broadcast %squeeze3A : f32 to vector<16xf32>
      %ge3A_256 = arith.cmpf oge, %get3A_254, %ge3A_255 : vector<16xf32>
      %convert_element_type3A_257 = arith.extui %ge3A_256 : vector<16xi1> to vector<16xi32>
      %broadcast_in_dim3A_258 = arith.constant true
      %broadcast_in_dim3A_259 = vector.broadcast %broadcast_in_dim3A_258 : i1 to vector<16xi1>
      %masked_cumsum3A_260 = tpu.scan <sum>, %convert_element_type3A_257 masked %broadcast_in_dim3A_259 : vector<16xi32>, vector<16xi1> -> vector<16xi32>
      %add3A_261 = vector.broadcast %add3A_251 : i32 to vector<16xi32>
      %add3A_262 = arith.addi %add3A_261, %masked_cumsum3A_260 : vector<16xi32>
      %sub3A_263 = arith.constant 1 : i32
      %sub3A_264 = vector.broadcast %sub3A_263 : i32 to vector<16xi32>
      %sub3A_265 = arith.subi %add3A_262, %sub3A_264 : vector<16xi32>
      %min3A_266 = arith.constant 63 : i32
      %min3A_267 = vector.broadcast %min3A_266 : i32 to vector<16xi32>
      %min3A_268 = arith.minsi %sub3A_265, %min3A_267 : vector<16xi32>
      tpu.vector_store_idx %arg14[%min3A_268], %get3A_254 masked %ge3A_256 : memref<64xf32, #tpu.memory_space<vmem>>[vector<16xi32>], vector<16xf32>, vector<16xi1>
      %mul3A_269 = arith.constant 128 : i32
      %mul3A_270 = arith.muli %while3A_110, %mul3A_269 : i32
      %add3A_271 = arith.constant 80 : i32
      %add3A_272 = arith.addi %mul3A_270, %add3A_271 : i32
      %add3A_273 = vector.broadcast %add3A_272 : i32 to vector<16xi32>
      %add3A_274 = arith.addi %add3A_273, %iota3A : vector<16xi32>
      tpu.vector_store_idx %arg15[%min3A_268], %add3A_274 masked %ge3A_256 : memref<64xi32, #tpu.memory_space<vmem>>[vector<16xi32>], vector<16xi32>, vector<16xi1>
      %convert_element_type3A_275 = arith.extui %ge3A_256 : vector<16xi1> to vector<16xi32>
      %reduce_sum3A_276 = arith.constant true
      %reduce_sum3A_277 = vector.broadcast %reduce_sum3A_276 : i1 to vector<16xi1>
      %reduce_sum3A_278 = tpu.scan <sum>, %convert_element_type3A_275 masked %reduce_sum3A_277 : vector<16xi32>, vector<16xi1> -> vector<16xi32>
      %reduce_sum3A_279 = vector.extract %reduce_sum3A_278[15] : i32 from vector<16xi32>
      %add3A_280 = arith.addi %add3A_251, %reduce_sum3A_279 : i32
      %get3A_281 = arith.index_cast %while3A_110 : i32 to index
      %get3A_282 = arith.constant 96 : index
      %get3A_283 = tpu.vector_load %arg13[%get3A_281, %get3A_282] {strides = array<i32>} : memref<64x128xf32, #tpu.memory_space<vmem>>, vector<16xf32>,
      %ge3A_284 = vector.broadcast %squeeze3A : f32 to vector<16xf32>
      %ge3A_285 = arith.cmpf oge, %get3A_283, %ge3A_284 : vector<16xf32>
      %convert_element_type3A_286 = arith.extui %ge3A_285 : vector<16xi1> to vector<16xi32>
      %broadcast_in_dim3A_287 = arith.constant true
      %broadcast_in_dim3A_288 = vector.broadcast %broadcast_in_dim3A_287 : i1 to vector<16xi1>
      %masked_cumsum3A_289 = tpu.scan <sum>, %convert_element_type3A_286 masked %broadcast_in_dim3A_288 : vector<16xi32>, vector<16xi1> -> vector<16xi32>
      %add3A_290 = vector.broadcast %add3A_280 : i32 to vector<16xi32>
      %add3A_291 = arith.addi %add3A_290, %masked_cumsum3A_289 : vector<16xi32>
      %sub3A_292 = arith.constant 1 : i32
      %sub3A_293 = vector.broadcast %sub3A_292 : i32 to vector<16xi32>
      %sub3A_294 = arith.subi %add3A_291, %sub3A_293 : vector<16xi32>
      %min3A_295 = arith.constant 63 : i32
      %min3A_296 = vector.broadcast %min3A_295 : i32 to vector<16xi32>
      %min3A_297 = arith.minsi %sub3A_294, %min3A_296 : vector<16xi32>
      tpu.vector_store_idx %arg14[%min3A_297], %get3A_283 masked %ge3A_285 : memref<64xf32, #tpu.memory_space<vmem>>[vector<16xi32>], vector<16xf32>, vector<16xi1>
      %mul3A_298 = arith.constant 128 : i32
      %mul3A_299 = arith.muli %while3A_110, %mul3A_298 : i32
      %add3A_300 = arith.constant 96 : i32
      %add3A_301 = arith.addi %mul3A_299, %add3A_300 : i32
      %add3A_302 = vector.broadcast %add3A_301 : i32 to vector<16xi32>
      %add3A_303 = arith.addi %add3A_302, %iota3A : vector<16xi32>
      tpu.vector_store_idx %arg15[%min3A_297], %add3A_303 masked %ge3A_285 : memref<64xi32, #tpu.memory_space<vmem>>[vector<16xi32>], vector<16xi32>, vector<16xi1>
      %convert_element_type3A_304 = arith.extui %ge3A_285 : vector<16xi1> to vector<16xi32>
      %reduce_sum3A_305 = arith.constant true
      %reduce_sum3A_306 = vector.broadcast %reduce_sum3A_305 : i1 to vector<16xi1>
      %reduce_sum3A_307 = tpu.scan <sum>, %convert_element_type3A_304 masked %reduce_sum3A_306 : vector<16xi32>, vector<16xi1> -> vector<16xi32>
      %reduce_sum3A_308 = vector.extract %reduce_sum3A_307[15] : i32 from vector<16xi32>
      %add3A_309 = arith.addi %add3A_280, %reduce_sum3A_308 : i32
      %get3A_310 = arith.index_cast %while3A_110 : i32 to index
      %get3A_311 = arith.constant 112 : index
      %get3A_312 = tpu.vector_load %arg13[%get3A_310, %get3A_311] {strides = array<i32>} : memref<64x128xf32, #tpu.memory_space<vmem>>, vector<16xf32>,
      %ge3A_313 = vector.broadcast %squeeze3A : f32 to vector<16xf32>
      %ge3A_314 = arith.cmpf oge, %get3A_312, %ge3A_313 : vector<16xf32>
      %convert_element_type3A_315 = arith.extui %ge3A_314 : vector<16xi1> to vector<16xi32>
      %broadcast_in_dim3A_316 = arith.constant true
      %broadcast_in_dim3A_317 = vector.broadcast %broadcast_in_dim3A_316 : i1 to vector<16xi1>
      %masked_cumsum3A_318 = tpu.scan <sum>, %convert_element_type3A_315 masked %broadcast_in_dim3A_317 : vector<16xi32>, vector<16xi1> -> vector<16xi32>
      %add3A_319 = vector.broadcast %add3A_309 : i32 to vector<16xi32>
      %add3A_320 = arith.addi %add3A_319, %masked_cumsum3A_318 : vector<16xi32>
      %sub3A_321 = arith.constant 1 : i32
      %sub3A_322 = vector.broadcast %sub3A_321 : i32 to vector<16xi32>
      %sub3A_323 = arith.subi %add3A_320, %sub3A_322 : vector<16xi32>
      %min3A_324 = arith.constant 63 : i32
      %min3A_325 = vector.broadcast %min3A_324 : i32 to vector<16xi32>
      %min3A_326 = arith.minsi %sub3A_323, %min3A_325 : vector<16xi32>
      tpu.vector_store_idx %arg14[%min3A_326], %get3A_312 masked %ge3A_314 : memref<64xf32, #tpu.memory_space<vmem>>[vector<16xi32>], vector<16xf32>, vector<16xi1>
      %mul3A_327 = arith.constant 128 : i32
      %mul3A_328 = arith.muli %while3A_110, %mul3A_327 : i32
      %add3A_329 = arith.constant 112 : i32
      %add3A_330 = arith.addi %mul3A_328, %add3A_329 : i32
      %add3A_331 = vector.broadcast %add3A_330 : i32 to vector<16xi32>
      %add3A_332 = arith.addi %add3A_331, %iota3A : vector<16xi32>
      tpu.vector_store_idx %arg15[%min3A_326], %add3A_332 masked %ge3A_314 : memref<64xi32, #tpu.memory_space<vmem>>[vector<16xi32>], vector<16xi32>, vector<16xi1>
      %convert_element_type3A_333 = arith.extui %ge3A_314 : vector<16xi1> to vector<16xi32>
      %reduce_sum3A_334 = arith.constant true
      %reduce_sum3A_335 = vector.broadcast %reduce_sum3A_334 : i1 to vector<16xi1>
      %reduce_sum3A_336 = tpu.scan <sum>, %convert_element_type3A_333 masked %reduce_sum3A_335 : vector<16xi32>, vector<16xi1> -> vector<16xi32>
      %reduce_sum3A_337 = vector.extract %reduce_sum3A_336[15] : i32 from vector<16xi32>
      %add3A_338 = arith.addi %add3A_309, %reduce_sum3A_337 : i32
      scf.yield %add3A_338 : i32
    }
    %while3A_67 = arith.constant 1 : i32
    %while3A_68 = scf.for %while3A_110 = %while3A_64 to %while3A_60 step %while3A_67 iter_args(%while3A_111 = %while3A_66) -> (i32)  : i32 {
      %get3A_112 = arith.index_cast %while3A_110 : i32 to index
      %get3A_113 = arith.constant 0 : index
      %get3A_114 = tpu.vector_load %arg13[%get3A_112, %get3A_113] {strides = array<i32>} : memref<64x128xf32, #tpu.memory_space<vmem>>, vector<16xf32>,
      %ge3A = vector.broadcast %squeeze3A : f32 to vector<16xf32>
      %ge3A_115 = arith.cmpf oge, %get3A_114, %ge3A : vector<16xf32>
      %convert_element_type3A = arith.extui %ge3A_115 : vector<16xi1> to vector<16xi32>
      %broadcast_in_dim3A = arith.constant true
      %broadcast_in_dim3A_116 = vector.broadcast %broadcast_in_dim3A : i1 to vector<16xi1>
      %masked_cumsum3A = tpu.scan <sum>, %convert_element_type3A masked %broadcast_in_dim3A_116 : vector<16xi32>, vector<16xi1> -> vector<16xi32>
      %add3A_117 = vector.broadcast %while3A_111 : i32 to vector<16xi32>
      %add3A_118 = arith.addi %add3A_117, %masked_cumsum3A : vector<16xi32>
      %sub3A_119 = arith.constant 1 : i32
      %sub3A_120 = vector.broadcast %sub3A_119 : i32 to vector<16xi32>
      %sub3A_121 = arith.subi %add3A_118, %sub3A_120 : vector<16xi32>
      %min3A_122 = arith.constant 63 : i32
      %min3A_123 = vector.broadcast %min3A_122 : i32 to vector<16xi32>
      %min3A_124 = arith.minsi %sub3A_121, %min3A_123 : vector<16xi32>
      tpu.vector_store_idx %arg14[%min3A_124], %get3A_114 masked %ge3A_115 : memref<64xf32, #tpu.memory_space<vmem>>[vector<16xi32>], vector<16xf32>, vector<16xi1>
      %mul3A_125 = arith.constant 128 : i32
      %mul3A_126 = arith.muli %while3A_110, %mul3A_125 : i32
      %add3A_127 = arith.constant 0 : i32
      %add3A_128 = arith.addi %mul3A_126, %add3A_127 : i32
      %add3A_129 = vector.broadcast %add3A_128 : i32 to vector<16xi32>
      %add3A_130 = arith.addi %add3A_129, %iota3A : vector<16xi32>
      tpu.vector_store_idx %arg15[%min3A_124], %add3A_130 masked %ge3A_115 : memref<64xi32, #tpu.memory_space<vmem>>[vector<16xi32>], vector<16xi32>, vector<16xi1>
      %convert_element_type3A_131 = arith.extui %ge3A_115 : vector<16xi1> to vector<16xi32>
      %reduce_sum3A = arith.constant true
      %reduce_sum3A_132 = vector.broadcast %reduce_sum3A : i1 to vector<16xi1>
      %reduce_sum3A_133 = tpu.scan <sum>, %convert_element_type3A_131 masked %reduce_sum3A_132 : vector<16xi32>, vector<16xi1> -> vector<16xi32>
      %reduce_sum3A_134 = vector.extract %reduce_sum3A_133[15] : i32 from vector<16xi32>
      %add3A_135 = arith.addi %while3A_111, %reduce_sum3A_134 : i32
      %get3A_136 = arith.index_cast %while3A_110 : i32 to index
      %get3A_137 = arith.constant 16 : index
      %get3A_138 = tpu.vector_load %arg13[%get3A_136, %get3A_137] {strides = array<i32>} : memref<64x128xf32, #tpu.memory_space<vmem>>, vector<16xf32>,
      %ge3A_139 = vector.broadcast %squeeze3A : f32 to vector<16xf32>
      %ge3A_140 = arith.cmpf oge, %get3A_138, %ge3A_139 : vector<16xf32>
      %convert_element_type3A_141 = arith.extui %ge3A_140 : vector<16xi1> to vector<16xi32>
      %broadcast_in_dim3A_142 = arith.constant true
      %broadcast_in_dim3A_143 = vector.broadcast %broadcast_in_dim3A_142 : i1 to vector<16xi1>
      %masked_cumsum3A_144 = tpu.scan <sum>, %convert_element_type3A_141 masked %broadcast_in_dim3A_143 : vector<16xi32>, vector<16xi1> -> vector<16xi32>
      %add3A_145 = vector.broadcast %add3A_135 : i32 to vector<16xi32>
      %add3A_146 = arith.addi %add3A_145, %masked_cumsum3A_144 : vector<16xi32>
      %sub3A_147 = arith.constant 1 : i32
      %sub3A_148 = vector.broadcast %sub3A_147 : i32 to vector<16xi32>
      %sub3A_149 = arith.subi %add3A_146, %sub3A_148 : vector<16xi32>
      %min3A_150 = arith.constant 63 : i32
      %min3A_151 = vector.broadcast %min3A_150 : i32 to vector<16xi32>
      %min3A_152 = arith.minsi %sub3A_149, %min3A_151 : vector<16xi32>
      tpu.vector_store_idx %arg14[%min3A_152], %get3A_138 masked %ge3A_140 : memref<64xf32, #tpu.memory_space<vmem>>[vector<16xi32>], vector<16xf32>, vector<16xi1>
      %mul3A_153 = arith.constant 128 : i32
      %mul3A_154 = arith.muli %while3A_110, %mul3A_153 : i32
      %add3A_155 = arith.constant 16 : i32
      %add3A_156 = arith.addi %mul3A_154, %add3A_155 : i32
      %add3A_157 = vector.broadcast %add3A_156 : i32 to vector<16xi32>
      %add3A_158 = arith.addi %add3A_157, %iota3A : vector<16xi32>
      tpu.vector_store_idx %arg15[%min3A_152], %add3A_158 masked %ge3A_140 : memref<64xi32, #tpu.memory_space<vmem>>[vector<16xi32>], vector<16xi32>, vector<16xi1>
      %convert_element_type3A_159 = arith.extui %ge3A_140 : vector<16xi1> to vector<16xi32>
      %reduce_sum3A_160 = arith.constant true
      %reduce_sum3A_161 = vector.broadcast %reduce_sum3A_160 : i1 to vector<16xi1>
      %reduce_sum3A_162 = tpu.scan <sum>, %convert_element_type3A_159 masked %reduce_sum3A_161 : vector<16xi32>, vector<16xi1> -> vector<16xi32>
      %reduce_sum3A_163 = vector.extract %reduce_sum3A_162[15] : i32 from vector<16xi32>
      %add3A_164 = arith.addi %add3A_135, %reduce_sum3A_163 : i32
      %get3A_165 = arith.index_cast %while3A_110 : i32 to index
      %get3A_166 = arith.constant 32 : index
      %get3A_167 = tpu.vector_load %arg13[%get3A_165, %get3A_166] {strides = array<i32>} : memref<64x128xf32, #tpu.memory_space<vmem>>, vector<16xf32>,
      %ge3A_168 = vector.broadcast %squeeze3A : f32 to vector<16xf32>
      %ge3A_169 = arith.cmpf oge, %get3A_167, %ge3A_168 : vector<16xf32>
      %convert_element_type3A_170 = arith.extui %ge3A_169 : vector<16xi1> to vector<16xi32>
      %broadcast_in_dim3A_171 = arith.constant true
      %broadcast_in_dim3A_172 = vector.broadcast %broadcast_in_dim3A_171 : i1 to vector<16xi1>
      %masked_cumsum3A_173 = tpu.scan <sum>, %convert_element_type3A_170 masked %broadcast_in_dim3A_172 : vector<16xi32>, vector<16xi1> -> vector<16xi32>
      %add3A_174 = vector.broadcast %add3A_164 : i32 to vector<16xi32>
      %add3A_175 = arith.addi %add3A_174, %masked_cumsum3A_173 : vector<16xi32>
      %sub3A_176 = arith.constant 1 : i32
      %sub3A_177 = vector.broadcast %sub3A_176 : i32 to vector<16xi32>
      %sub3A_178 = arith.subi %add3A_175, %sub3A_177 : vector<16xi32>
      %min3A_179 = arith.constant 63 : i32
      %min3A_180 = vector.broadcast %min3A_179 : i32 to vector<16xi32>
      %min3A_181 = arith.minsi %sub3A_178, %min3A_180 : vector<16xi32>
      tpu.vector_store_idx %arg14[%min3A_181], %get3A_167 masked %ge3A_169 : memref<64xf32, #tpu.memory_space<vmem>>[vector<16xi32>], vector<16xf32>, vector<16xi1>
      %mul3A_182 = arith.constant 128 : i32
      %mul3A_183 = arith.muli %while3A_110, %mul3A_182 : i32
      %add3A_184 = arith.constant 32 : i32
      %add3A_185 = arith.addi %mul3A_183, %add3A_184 : i32
      %add3A_186 = vector.broadcast %add3A_185 : i32 to vector<16xi32>
      %add3A_187 = arith.addi %add3A_186, %iota3A : vector<16xi32>
      tpu.vector_store_idx %arg15[%min3A_181], %add3A_187 masked %ge3A_169 : memref<64xi32, #tpu.memory_space<vmem>>[vector<16xi32>], vector<16xi32>, vector<16xi1>
      %convert_element_type3A_188 = arith.extui %ge3A_169 : vector<16xi1> to vector<16xi32>
      %reduce_sum3A_189 = arith.constant true
      %reduce_sum3A_190 = vector.broadcast %reduce_sum3A_189 : i1 to vector<16xi1>
      %reduce_sum3A_191 = tpu.scan <sum>, %convert_element_type3A_188 masked %reduce_sum3A_190 : vector<16xi32>, vector<16xi1> -> vector<16xi32>
      %reduce_sum3A_192 = vector.extract %reduce_sum3A_191[15] : i32 from vector<16xi32>
      %add3A_193 = arith.addi %add3A_164, %reduce_sum3A_192 : i32
      %get3A_194 = arith.index_cast %while3A_110 : i32 to index
      %get3A_195 = arith.constant 48 : index
      %get3A_196 = tpu.vector_load %arg13[%get3A_194, %get3A_195] {strides = array<i32>} : memref<64x128xf32, #tpu.memory_space<vmem>>, vector<16xf32>,
      %ge3A_197 = vector.broadcast %squeeze3A : f32 to vector<16xf32>
      %ge3A_198 = arith.cmpf oge, %get3A_196, %ge3A_197 : vector<16xf32>
      %convert_element_type3A_199 = arith.extui %ge3A_198 : vector<16xi1> to vector<16xi32>
      %broadcast_in_dim3A_200 = arith.constant true
      %broadcast_in_dim3A_201 = vector.broadcast %broadcast_in_dim3A_200 : i1 to vector<16xi1>
      %masked_cumsum3A_202 = tpu.scan <sum>, %convert_element_type3A_199 masked %broadcast_in_dim3A_201 : vector<16xi32>, vector<16xi1> -> vector<16xi32>
      %add3A_203 = vector.broadcast %add3A_193 : i32 to vector<16xi32>
      %add3A_204 = arith.addi %add3A_203, %masked_cumsum3A_202 : vector<16xi32>
      %sub3A_205 = arith.constant 1 : i32
      %sub3A_206 = vector.broadcast %sub3A_205 : i32 to vector<16xi32>
      %sub3A_207 = arith.subi %add3A_204, %sub3A_206 : vector<16xi32>
      %min3A_208 = arith.constant 63 : i32
      %min3A_209 = vector.broadcast %min3A_208 : i32 to vector<16xi32>
      %min3A_210 = arith.minsi %sub3A_207, %min3A_209 : vector<16xi32>
      tpu.vector_store_idx %arg14[%min3A_210], %get3A_196 masked %ge3A_198 : memref<64xf32, #tpu.memory_space<vmem>>[vector<16xi32>], vector<16xf32>, vector<16xi1>
      %mul3A_211 = arith.constant 128 : i32
      %mul3A_212 = arith.muli %while3A_110, %mul3A_211 : i32
      %add3A_213 = arith.constant 48 : i32
      %add3A_214 = arith.addi %mul3A_212, %add3A_213 : i32
      %add3A_215 = vector.broadcast %add3A_214 : i32 to vector<16xi32>
      %add3A_216 = arith.addi %add3A_215, %iota3A : vector<16xi32>
      tpu.vector_store_idx %arg15[%min3A_210], %add3A_216 masked %ge3A_198 : memref<64xi32, #tpu.memory_space<vmem>>[vector<16xi32>], vector<16xi32>, vector<16xi1>
      %convert_element_type3A_217 = arith.extui %ge3A_198 : vector<16xi1> to vector<16xi32>
      %reduce_sum3A_218 = arith.constant true
      %reduce_sum3A_219 = vector.broadcast %reduce_sum3A_218 : i1 to vector<16xi1>
      %reduce_sum3A_220 = tpu.scan <sum>, %convert_element_type3A_217 masked %reduce_sum3A_219 : vector<16xi32>, vector<16xi1> -> vector<16xi32>
      %reduce_sum3A_221 = vector.extract %reduce_sum3A_220[15] : i32 from vector<16xi32>
      %add3A_222 = arith.addi %add3A_193, %reduce_sum3A_221 : i32
      %get3A_223 = arith.index_cast %while3A_110 : i32 to index
      %get3A_224 = arith.constant 64 : index
      %get3A_225 = tpu.vector_load %arg13[%get3A_223, %get3A_224] {strides = array<i32>} : memref<64x128xf32, #tpu.memory_space<vmem>>, vector<16xf32>,
      %ge3A_226 = vector.broadcast %squeeze3A : f32 to vector<16xf32>
      %ge3A_227 = arith.cmpf oge, %get3A_225, %ge3A_226 : vector<16xf32>
      %convert_element_type3A_228 = arith.extui %ge3A_227 : vector<16xi1> to vector<16xi32>
      %broadcast_in_dim3A_229 = arith.constant true
      %broadcast_in_dim3A_230 = vector.broadcast %broadcast_in_dim3A_229 : i1 to vector<16xi1>
      %masked_cumsum3A_231 = tpu.scan <sum>, %convert_element_type3A_228 masked %broadcast_in_dim3A_230 : vector<16xi32>, vector<16xi1> -> vector<16xi32>
      %add3A_232 = vector.broadcast %add3A_222 : i32 to vector<16xi32>
      %add3A_233 = arith.addi %add3A_232, %masked_cumsum3A_231 : vector<16xi32>
      %sub3A_234 = arith.constant 1 : i32
      %sub3A_235 = vector.broadcast %sub3A_234 : i32 to vector<16xi32>
      %sub3A_236 = arith.subi %add3A_233, %sub3A_235 : vector<16xi32>
      %min3A_237 = arith.constant 63 : i32
      %min3A_238 = vector.broadcast %min3A_237 : i32 to vector<16xi32>
      %min3A_239 = arith.minsi %sub3A_236, %min3A_238 : vector<16xi32>
      tpu.vector_store_idx %arg14[%min3A_239], %get3A_225 masked %ge3A_227 : memref<64xf32, #tpu.memory_space<vmem>>[vector<16xi32>], vector<16xf32>, vector<16xi1>
      %mul3A_240 = arith.constant 128 : i32
      %mul3A_241 = arith.muli %while3A_110, %mul3A_240 : i32
      %add3A_242 = arith.constant 64 : i32
      %add3A_243 = arith.addi %mul3A_241, %add3A_242 : i32
      %add3A_244 = vector.broadcast %add3A_243 : i32 to vector<16xi32>
      %add3A_245 = arith.addi %add3A_244, %iota3A : vector<16xi32>
      tpu.vector_store_idx %arg15[%min3A_239], %add3A_245 masked %ge3A_227 : memref<64xi32, #tpu.memory_space<vmem>>[vector<16xi32>], vector<16xi32>, vector<16xi1>
      %convert_element_type3A_246 = arith.extui %ge3A_227 : vector<16xi1> to vector<16xi32>
      %reduce_sum3A_247 = arith.constant true
      %reduce_sum3A_248 = vector.broadcast %reduce_sum3A_247 : i1 to vector<16xi1>
      %reduce_sum3A_249 = tpu.scan <sum>, %convert_element_type3A_246 masked %reduce_sum3A_248 : vector<16xi32>, vector<16xi1> -> vector<16xi32>
      %reduce_sum3A_250 = vector.extract %reduce_sum3A_249[15] : i32 from vector<16xi32>
      %add3A_251 = arith.addi %add3A_222, %reduce_sum3A_250 : i32
      %get3A_252 = arith.index_cast %while3A_110 : i32 to index
      %get3A_253 = arith.constant 80 : index
      %get3A_254 = tpu.vector_load %arg13[%get3A_252, %get3A_253] {strides = array<i32>} : memref<64x128xf32, #tpu.memory_space<vmem>>, vector<16xf32>,
      %ge3A_255 = vector.broadcast %squeeze3A : f32 to vector<16xf32>
      %ge3A_256 = arith.cmpf oge, %get3A_254, %ge3A_255 : vector<16xf32>
      %convert_element_type3A_257 = arith.extui %ge3A_256 : vector<16xi1> to vector<16xi32>
      %broadcast_in_dim3A_258 = arith.constant true
      %broadcast_in_dim3A_259 = vector.broadcast %broadcast_in_dim3A_258 : i1 to vector<16xi1>
      %masked_cumsum3A_260 = tpu.scan <sum>, %convert_element_type3A_257 masked %broadcast_in_dim3A_259 : vector<16xi32>, vector<16xi1> -> vector<16xi32>
      %add3A_261 = vector.broadcast %add3A_251 : i32 to vector<16xi32>
      %add3A_262 = arith.addi %add3A_261, %masked_cumsum3A_260 : vector<16xi32>
      %sub3A_263 = arith.constant 1 : i32
      %sub3A_264 = vector.broadcast %sub3A_263 : i32 to vector<16xi32>
      %sub3A_265 = arith.subi %add3A_262, %sub3A_264 : vector<16xi32>
      %min3A_266 = arith.constant 63 : i32
      %min3A_267 = vector.broadcast %min3A_266 : i32 to vector<16xi32>
      %min3A_268 = arith.minsi %sub3A_265, %min3A_267 : vector<16xi32>
      tpu.vector_store_idx %arg14[%min3A_268], %get3A_254 masked %ge3A_256 : memref<64xf32, #tpu.memory_space<vmem>>[vector<16xi32>], vector<16xf32>, vector<16xi1>
      %mul3A_269 = arith.constant 128 : i32
      %mul3A_270 = arith.muli %while3A_110, %mul3A_269 : i32
      %add3A_271 = arith.constant 80 : i32
      %add3A_272 = arith.addi %mul3A_270, %add3A_271 : i32
      %add3A_273 = vector.broadcast %add3A_272 : i32 to vector<16xi32>
      %add3A_274 = arith.addi %add3A_273, %iota3A : vector<16xi32>
      tpu.vector_store_idx %arg15[%min3A_268], %add3A_274 masked %ge3A_256 : memref<64xi32, #tpu.memory_space<vmem>>[vector<16xi32>], vector<16xi32>, vector<16xi1>
      %convert_element_type3A_275 = arith.extui %ge3A_256 : vector<16xi1> to vector<16xi32>
      %reduce_sum3A_276 = arith.constant true
      %reduce_sum3A_277 = vector.broadcast %reduce_sum3A_276 : i1 to vector<16xi1>
      %reduce_sum3A_278 = tpu.scan <sum>, %convert_element_type3A_275 masked %reduce_sum3A_277 : vector<16xi32>, vector<16xi1> -> vector<16xi32>
      %reduce_sum3A_279 = vector.extract %reduce_sum3A_278[15] : i32 from vector<16xi32>
      %add3A_280 = arith.addi %add3A_251, %reduce_sum3A_279 : i32
      %get3A_281 = arith.index_cast %while3A_110 : i32 to index
      %get3A_282 = arith.constant 96 : index
      %get3A_283 = tpu.vector_load %arg13[%get3A_281, %get3A_282] {strides = array<i32>} : memref<64x128xf32, #tpu.memory_space<vmem>>, vector<16xf32>,
      %ge3A_284 = vector.broadcast %squeeze3A : f32 to vector<16xf32>
      %ge3A_285 = arith.cmpf oge, %get3A_283, %ge3A_284 : vector<16xf32>
      %convert_element_type3A_286 = arith.extui %ge3A_285 : vector<16xi1> to vector<16xi32>
      %broadcast_in_dim3A_287 = arith.constant true
      %broadcast_in_dim3A_288 = vector.broadcast %broadcast_in_dim3A_287 : i1 to vector<16xi1>
      %masked_cumsum3A_289 = tpu.scan <sum>, %convert_element_type3A_286 masked %broadcast_in_dim3A_288 : vector<16xi32>, vector<16xi1> -> vector<16xi32>
      %add3A_290 = vector.broadcast %add3A_280 : i32 to vector<16xi32>
      %add3A_291 = arith.addi %add3A_290, %masked_cumsum3A_289 : vector<16xi32>
      %sub3A_292 = arith.constant 1 : i32
      %sub3A_293 = vector.broadcast %sub3A_292 : i32 to vector<16xi32>
      %sub3A_294 = arith.subi %add3A_291, %sub3A_293 : vector<16xi32>
      %min3A_295 = arith.constant 63 : i32
      %min3A_296 = vector.broadcast %min3A_295 : i32 to vector<16xi32>
      %min3A_297 = arith.minsi %sub3A_294, %min3A_296 : vector<16xi32>
      tpu.vector_store_idx %arg14[%min3A_297], %get3A_283 masked %ge3A_285 : memref<64xf32, #tpu.memory_space<vmem>>[vector<16xi32>], vector<16xf32>, vector<16xi1>
      %mul3A_298 = arith.constant 128 : i32
      %mul3A_299 = arith.muli %while3A_110, %mul3A_298 : i32
      %add3A_300 = arith.constant 96 : i32
      %add3A_301 = arith.addi %mul3A_299, %add3A_300 : i32
      %add3A_302 = vector.broadcast %add3A_301 : i32 to vector<16xi32>
      %add3A_303 = arith.addi %add3A_302, %iota3A : vector<16xi32>
      tpu.vector_store_idx %arg15[%min3A_297], %add3A_303 masked %ge3A_285 : memref<64xi32, #tpu.memory_space<vmem>>[vector<16xi32>], vector<16xi32>, vector<16xi1>
      %convert_element_type3A_304 = arith.extui %ge3A_285 : vector<16xi1> to vector<16xi32>
      %reduce_sum3A_305 = arith.constant true
      %reduce_sum3A_306 = vector.broadcast %reduce_sum3A_305 : i1 to vector<16xi1>
      %reduce_sum3A_307 = tpu.scan <sum>, %convert_element_type3A_304 masked %reduce_sum3A_306 : vector<16xi32>, vector<16xi1> -> vector<16xi32>
      %reduce_sum3A_308 = vector.extract %reduce_sum3A_307[15] : i32 from vector<16xi32>
      %add3A_309 = arith.addi %add3A_280, %reduce_sum3A_308 : i32
      %get3A_310 = arith.index_cast %while3A_110 : i32 to index
      %get3A_311 = arith.constant 112 : index
      %get3A_312 = tpu.vector_load %arg13[%get3A_310, %get3A_311] {strides = array<i32>} : memref<64x128xf32, #tpu.memory_space<vmem>>, vector<16xf32>,
      %ge3A_313 = vector.broadcast %squeeze3A : f32 to vector<16xf32>
      %ge3A_314 = arith.cmpf oge, %get3A_312, %ge3A_313 : vector<16xf32>
      %convert_element_type3A_315 = arith.extui %ge3A_314 : vector<16xi1> to vector<16xi32>
      %broadcast_in_dim3A_316 = arith.constant true
      %broadcast_in_dim3A_317 = vector.broadcast %broadcast_in_dim3A_316 : i1 to vector<16xi1>
      %masked_cumsum3A_318 = tpu.scan <sum>, %convert_element_type3A_315 masked %broadcast_in_dim3A_317 : vector<16xi32>, vector<16xi1> -> vector<16xi32>
      %add3A_319 = vector.broadcast %add3A_309 : i32 to vector<16xi32>
      %add3A_320 = arith.addi %add3A_319, %masked_cumsum3A_318 : vector<16xi32>
      %sub3A_321 = arith.constant 1 : i32
      %sub3A_322 = vector.broadcast %sub3A_321 : i32 to vector<16xi32>
      %sub3A_323 = arith.subi %add3A_320, %sub3A_322 : vector<16xi32>
      %min3A_324 = arith.constant 63 : i32
      %min3A_325 = vector.broadcast %min3A_324 : i32 to vector<16xi32>
      %min3A_326 = arith.minsi %sub3A_323, %min3A_325 : vector<16xi32>
      tpu.vector_store_idx %arg14[%min3A_326], %get3A_312 masked %ge3A_314 : memref<64xf32, #tpu.memory_space<vmem>>[vector<16xi32>], vector<16xf32>, vector<16xi1>
      %mul3A_327 = arith.constant 128 : i32
      %mul3A_328 = arith.muli %while3A_110, %mul3A_327 : i32
      %add3A_329 = arith.constant 112 : i32
      %add3A_330 = arith.addi %mul3A_328, %add3A_329 : i32
      %add3A_331 = vector.broadcast %add3A_330 : i32 to vector<16xi32>
      %add3A_332 = arith.addi %add3A_331, %iota3A : vector<16xi32>
      tpu.vector_store_idx %arg15[%min3A_326], %add3A_332 masked %ge3A_314 : memref<64xi32, #tpu.memory_space<vmem>>[vector<16xi32>], vector<16xi32>, vector<16xi1>
      %convert_element_type3A_333 = arith.extui %ge3A_314 : vector<16xi1> to vector<16xi32>
      %reduce_sum3A_334 = arith.constant true
      %reduce_sum3A_335 = vector.broadcast %reduce_sum3A_334 : i1 to vector<16xi1>
      %reduce_sum3A_336 = tpu.scan <sum>, %convert_element_type3A_333 masked %reduce_sum3A_335 : vector<16xi32>, vector<16xi1> -> vector<16xi32>
      %reduce_sum3A_337 = vector.extract %reduce_sum3A_336[15] : i32 from vector<16xi32>
      %add3A_338 = arith.addi %add3A_309, %reduce_sum3A_337 : i32
      scf.yield %add3A_338 : i32
    }
    %scan3A_69 = arith.constant 0 : i32
    %scan3A_70 = arith.constant 4 : i32
    %scan3A_71 = arith.addi %scan3A_69, %scan3A_70 : i32
    %scan3A_72 = arith.constant 1 : i32
    scf.for %scan3A_110 = %scan3A_69 to %scan3A_71 step %scan3A_72  : i32 {
      %mul3A_111 = arith.constant 16 : i32
      %mul3A_112 = arith.muli %scan3A_110, %mul3A_111 : i32
      %add3A_113 = arith.constant 0 : i32
      %add3A_114 = arith.addi %add3A_113, %mul3A_112 : i32
      %get3A_115 = arith.index_cast %add3A_114 : i32 to index
      %get3A_116 = tpu.vector_load %arg15[%get3A_115] {strides = array<i32>} : memref<64xi32, #tpu.memory_space<vmem>>, vector<16xi32>,
      %shift_right_arithmetic3A = arith.constant 7 : i32
      %shift_right_arithmetic3A_117 = vector.broadcast %shift_right_arithmetic3A : i32 to vector<16xi32>
      %shift_right_arithmetic3A_118 = arith.shrsi %get3A_116, %shift_right_arithmetic3A_117 : vector<16xi32>
      %gather3A = tpu.vector_load_idx %arg12[%shift_right_arithmetic3A_118] : memref<64xi32, #tpu.memory_space<vmem>>[vector<16xi32>], vector<16xi32>,
      %and3A_119 = arith.constant 127 : i32
      %and3A_120 = vector.broadcast %and3A_119 : i32 to vector<16xi32>
      %and3A_121 = arith.andi %get3A_116, %and3A_120 : vector<16xi32>
      %mul3A_122 = arith.constant 1024 : i32
      %mul3A_123 = vector.broadcast %mul3A_122 : i32 to vector<16xi32>
      %mul3A_124 = arith.muli %and3A_121, %mul3A_123 : vector<16xi32>
      %add3A_125 = arith.addi %gather3A, %mul3A_124 : vector<16xi32>
      %swap3A = arith.index_cast %add3A_114 : i32 to index
      %swap3A_126 = tpu.vector_load %arg15[%swap3A] {strides = array<i32>} : memref<64xi32, #tpu.memory_space<vmem>>, vector<16xi32>,
      tpu.vector_store %arg15[%swap3A], %add3A_125 {strides = array<i32>} : memref<64xi32, #tpu.memory_space<vmem>>, vector<16xi32>,
      %mul3A_127 = arith.constant 1024 : i32
      %mul3A_128 = arith.muli %add3A, %mul3A_127 : i32
      %shift_right_arithmetic3A_129 = arith.constant 10 : i32
      %shift_right_arithmetic3A_130 = vector.broadcast %shift_right_arithmetic3A_129 : i32 to vector<16xi32>
      %shift_right_arithmetic3A_131 = arith.shrsi %add3A_125, %shift_right_arithmetic3A_130 : vector<16xi32>
      %add3A_132 = vector.broadcast %mul3A_128 : i32 to vector<16xi32>
      %add3A_133 = arith.addi %add3A_132, %shift_right_arithmetic3A_131 : vector<16xi32>
      %swap3A_134 = arith.constant 0 : i32
      %swap3A_135 = arith.index_cast %swap3A_134 : i32 to index
      %swap3A_136 = arith.index_cast %add3A_114 : i32 to index
      %swap3A_137 = tpu.vector_load %arg17[%swap3A_135, %swap3A_136] {strides = array<i32>} : memref<1x64xi32, #tpu.memory_space<vmem>>, vector<16xi32>,
      tpu.vector_store %arg17[%swap3A_135, %swap3A_136], %add3A_133 {strides = array<i32>} : memref<1x64xi32, #tpu.memory_space<vmem>>, vector<16xi32>,
      %mul3A_138 = arith.constant 1024 : i32
      %mul3A_139 = arith.muli %add3A, %mul3A_138 : i32
      %and3A_140 = arith.constant 1023 : i32
      %and3A_141 = vector.broadcast %and3A_140 : i32 to vector<16xi32>
      %and3A_142 = arith.andi %add3A_125, %and3A_141 : vector<16xi32>
      %add3A_143 = vector.broadcast %mul3A_139 : i32 to vector<16xi32>
      %add3A_144 = arith.addi %add3A_143, %and3A_142 : vector<16xi32>
      %swap3A_145 = arith.constant 0 : i32
      %swap3A_146 = arith.index_cast %swap3A_145 : i32 to index
      %swap3A_147 = arith.index_cast %add3A_114 : i32 to index
      %swap3A_148 = tpu.vector_load %arg18[%swap3A_146, %swap3A_147] {strides = array<i32>} : memref<1x64xi32, #tpu.memory_space<vmem>>, vector<16xi32>,
      tpu.vector_store %arg18[%swap3A_146, %swap3A_147], %add3A_144 {strides = array<i32>} : memref<1x64xi32, #tpu.memory_space<vmem>>, vector<16xi32>,
    }
    %scan3A_73 = arith.constant 4 : i32
    %dma_start3A_74 = arith.constant 0 : i32
    %dma_start3A_75 = arith.constant 0 : i32
    %dma_start3A_76 = tpu.memref_slice %arg17[%dma_start3A_74, %dma_start3A_75] : memref<1x64xi32, #tpu.memory_space<vmem>> -> memref<1x64xi32, #tpu.memory_space<vmem>>
    %dma_start3A_77 = tpu.memref_squeeze %dma_start3A_76 : memref<1x64xi32, #tpu.memory_space<vmem>> -> memref<64xi32, #tpu.memory_space<vmem>>
    %dma_start3A_78 = arith.constant 0 : i32
    %dma_start3A_79 = arith.constant 0 : i32
    %dma_start3A_80 = tpu.memref_slice %arg5[%dma_start3A_78, %dma_start3A_79] : memref<8192x128xf32, #tpu.memory_space<hbm>> -> memref<8192x128xf32, #tpu.memory_space<hbm>>
    tpu.enqueue_indirect_dma source(%dma_start3A_80 : memref<8192x128xf32, #tpu.memory_space<hbm>>) target(%arg19 : memref<64x128xf32, #tpu.memory_space<vmem>>) offsets(%dma_start3A_77 : memref<64xi32, #tpu.memory_space<vmem>>) semaphore(%arg21 : memref<!tpu.dma_semaphore, #tpu.memory_space<semaphore_mem>>)
    %dma_wait3A_81 = arith.constant 0 : i32
    %dma_wait3A_82 = arith.constant 0 : i32
    %dma_wait3A_83 = tpu.memref_slice %arg17[%dma_wait3A_81, %dma_wait3A_82] : memref<1x64xi32, #tpu.memory_space<vmem>> -> memref<1x64xi32, #tpu.memory_space<vmem>>
    %dma_wait3A_84 = tpu.memref_squeeze %dma_wait3A_83 : memref<1x64xi32, #tpu.memory_space<vmem>> -> memref<64xi32, #tpu.memory_space<vmem>>
    %dma_wait3A_85 = arith.constant 0 : i32
    %dma_wait3A_86 = arith.constant 0 : i32
    %dma_wait3A_87 = tpu.memref_slice %arg5[%dma_wait3A_85, %dma_wait3A_86] : memref<8192x128xf32, #tpu.memory_space<hbm>> -> memref<8192x128xf32, #tpu.memory_space<hbm>>
    tpu.wait_indirect_dma semaphore(%arg21 : memref<!tpu.dma_semaphore, #tpu.memory_space<semaphore_mem>>) src(%dma_wait3A_87 : memref<8192x128xf32, #tpu.memory_space<hbm>>) dst(%arg19 : memref<64x128xf32, #tpu.memory_space<vmem>>)
    %dma_start3A_88 = arith.constant 0 : i32
    %dma_start3A_89 = arith.constant 0 : i32
    %dma_start3A_90 = tpu.memref_slice %arg18[%dma_start3A_88, %dma_start3A_89] : memref<1x64xi32, #tpu.memory_space<vmem>> -> memref<1x64xi32, #tpu.memory_space<vmem>>
    %dma_start3A_91 = tpu.memref_squeeze %dma_start3A_90 : memref<1x64xi32, #tpu.memory_space<vmem>> -> memref<64xi32, #tpu.memory_space<vmem>>
    %dma_start3A_92 = arith.constant 0 : i32
    %dma_start3A_93 = arith.constant 0 : i32
    %dma_start3A_94 = tpu.memref_slice %arg5[%dma_start3A_92, %dma_start3A_93] : memref<8192x128xf32, #tpu.memory_space<hbm>> -> memref<8192x128xf32, #tpu.memory_space<hbm>>
    tpu.enqueue_indirect_dma source(%dma_start3A_94 : memref<8192x128xf32, #tpu.memory_space<hbm>>) target(%arg20 : memref<64x128xf32, #tpu.memory_space<vmem>>) offsets(%dma_start3A_91 : memref<64xi32, #tpu.memory_space<vmem>>) semaphore(%arg21 : memref<!tpu.dma_semaphore, #tpu.memory_space<semaphore_mem>>)
    %dma_wait3A_95 = arith.constant 0 : i32
    %dma_wait3A_96 = arith.constant 0 : i32
    %dma_wait3A_97 = tpu.memref_slice %arg18[%dma_wait3A_95, %dma_wait3A_96] : memref<1x64xi32, #tpu.memory_space<vmem>> -> memref<1x64xi32, #tpu.memory_space<vmem>>
    %dma_wait3A_98 = tpu.memref_squeeze %dma_wait3A_97 : memref<1x64xi32, #tpu.memory_space<vmem>> -> memref<64xi32, #tpu.memory_space<vmem>>
    %dma_wait3A_99 = arith.constant 0 : i32
    %dma_wait3A_100 = arith.constant 0 : i32
    %dma_wait3A_101 = tpu.memref_slice %arg5[%dma_wait3A_99, %dma_wait3A_100] : memref<8192x128xf32, #tpu.memory_space<hbm>> -> memref<8192x128xf32, #tpu.memory_space<hbm>>
    tpu.wait_indirect_dma semaphore(%arg21 : memref<!tpu.dma_semaphore, #tpu.memory_space<semaphore_mem>>) src(%dma_wait3A_101 : memref<8192x128xf32, #tpu.memory_space<hbm>>) dst(%arg20 : memref<64x128xf32, #tpu.memory_space<vmem>>)
    %mul3A_102 = arith.constant 64 : i32
    %mul3A_103 = arith.muli %select_n3A_30, %mul3A_102 : i32
    "tpu.region"() ({
      %run_scoped3A = tpu.sem_alloc : memref<!tpu.dma_semaphore, #tpu.memory_space<semaphore_mem>>
      %dma_start3A_110 = tpu.memref_slice %arg6[%add3A, %mul3A_103] : memref<8x256xf32, #tpu.memory_space<hbm>> -> memref<1x64xf32, #tpu.memory_space<hbm>>
      %dma_start3A_111 = tpu.memref_squeeze %dma_start3A_110 : memref<1x64xf32, #tpu.memory_space<hbm>> -> memref<64xf32, #tpu.memory_space<hbm>>
      %dma_start3A_112 = tpu.memref_slice %arg6[%add3A, %mul3A_103] : memref<8x256xf32, #tpu.memory_space<hbm>> -> memref<1x64xf32, #tpu.memory_space<hbm>>
      %dma_start3A_113 = tpu.memref_squeeze %dma_start3A_112 : memref<1x64xf32, #tpu.memory_space<hbm>> -> memref<64xf32, #tpu.memory_space<hbm>>
      tpu.enqueue_dma source(%arg14 : memref<64xf32, #tpu.memory_space<vmem>>) target(%dma_start3A_113 : memref<64xf32, #tpu.memory_space<hbm>>) target_semaphore(%run_scoped3A : memref<!tpu.dma_semaphore, #tpu.memory_space<semaphore_mem>>)
      %dma_wait3A_114 = tpu.memref_slice %arg6[%add3A, %mul3A_103] : memref<8x256xf32, #tpu.memory_space<hbm>> -> memref<1x64xf32, #tpu.memory_space<hbm>>
      %dma_wait3A_115 = tpu.memref_squeeze %dma_wait3A_114 : memref<1x64xf32, #tpu.memory_space<hbm>> -> memref<64xf32, #tpu.memory_space<hbm>>
      %dma_wait3A_116 = tpu.memref_slice %arg6[%add3A, %mul3A_103] : memref<8x256xf32, #tpu.memory_space<hbm>> -> memref<1x64xf32, #tpu.memory_space<hbm>>
      %dma_wait3A_117 = tpu.memref_squeeze %dma_wait3A_116 : memref<1x64xf32, #tpu.memory_space<hbm>> -> memref<64xf32, #tpu.memory_space<hbm>>
      tpu.wait_dma2 semaphore(%run_scoped3A : memref<!tpu.dma_semaphore, #tpu.memory_space<semaphore_mem>>) src(%arg14 : memref<64xf32, #tpu.memory_space<vmem>>) dst(%dma_wait3A_117 : memref<64xf32, #tpu.memory_space<hbm>>)
      tpu.yield
    }) : () -> ()
    %mul3A_104 = arith.constant 64 : i32
    %mul3A_105 = arith.muli %select_n3A_30, %mul3A_104 : i32
    "tpu.region"() ({
      %run_scoped3A = tpu.sem_alloc : memref<!tpu.dma_semaphore, #tpu.memory_space<semaphore_mem>>
      %dma_start3A_110 = tpu.memref_slice %arg7[%add3A, %mul3A_105] : memref<8x256xi32, #tpu.memory_space<hbm>> -> memref<1x64xi32, #tpu.memory_space<hbm>>
      %dma_start3A_111 = tpu.memref_squeeze %dma_start3A_110 : memref<1x64xi32, #tpu.memory_space<hbm>> -> memref<64xi32, #tpu.memory_space<hbm>>
      %dma_start3A_112 = tpu.memref_slice %arg7[%add3A, %mul3A_105] : memref<8x256xi32, #tpu.memory_space<hbm>> -> memref<1x64xi32, #tpu.memory_space<hbm>>
      %dma_start3A_113 = tpu.memref_squeeze %dma_start3A_112 : memref<1x64xi32, #tpu.memory_space<hbm>> -> memref<64xi32, #tpu.memory_space<hbm>>
      tpu.enqueue_dma source(%arg15 : memref<64xi32, #tpu.memory_space<vmem>>) target(%dma_start3A_113 : memref<64xi32, #tpu.memory_space<hbm>>) target_semaphore(%run_scoped3A : memref<!tpu.dma_semaphore, #tpu.memory_space<semaphore_mem>>)
      %dma_wait3A_114 = tpu.memref_slice %arg7[%add3A, %mul3A_105] : memref<8x256xi32, #tpu.memory_space<hbm>> -> memref<1x64xi32, #tpu.memory_space<hbm>>
      %dma_wait3A_115 = tpu.memref_squeeze %dma_wait3A_114 : memref<1x64xi32, #tpu.memory_space<hbm>> -> memref<64xi32, #tpu.memory_space<hbm>>
      %dma_wait3A_116 = tpu.memref_slice %arg7[%add3A, %mul3A_105] : memref<8x256xi32, #tpu.memory_space<hbm>> -> memref<1x64xi32, #tpu.memory_space<hbm>>
      %dma_wait3A_117 = tpu.memref_squeeze %dma_wait3A_116 : memref<1x64xi32, #tpu.memory_space<hbm>> -> memref<64xi32, #tpu.memory_space<hbm>>
      tpu.wait_dma2 semaphore(%run_scoped3A : memref<!tpu.dma_semaphore, #tpu.memory_space<semaphore_mem>>) src(%arg15 : memref<64xi32, #tpu.memory_space<vmem>>) dst(%dma_wait3A_117 : memref<64xi32, #tpu.memory_space<hbm>>)
      tpu.yield
    }) : () -> ()
    %mul3A_106 = arith.constant 64 : i32
    %mul3A_107 = arith.muli %select_n3A_30, %mul3A_106 : i32
    "tpu.region"() ({
      %run_scoped3A = tpu.sem_alloc : memref<!tpu.dma_semaphore, #tpu.memory_space<semaphore_mem>>
      %dma_start3A_110 = arith.constant 0 : i32
      %dma_start3A_111 = tpu.memref_slice %arg8[%add3A, %mul3A_107, %dma_start3A_110] : memref<8x256x128xf32, #tpu.memory_space<hbm>> -> memref<1x64x128xf32, #tpu.memory_space<hbm>>
      %dma_start3A_112 = tpu.memref_squeeze %dma_start3A_111 : memref<1x64x128xf32, #tpu.memory_space<hbm>> -> memref<64x128xf32, #tpu.memory_space<hbm>>
      %dma_start3A_113 = arith.constant 0 : i32
      %dma_start3A_114 = tpu.memref_slice %arg8[%add3A, %mul3A_107, %dma_start3A_113] : memref<8x256x128xf32, #tpu.memory_space<hbm>> -> memref<1x64x128xf32, #tpu.memory_space<hbm>>
      %dma_start3A_115 = tpu.memref_squeeze %dma_start3A_114 : memref<1x64x128xf32, #tpu.memory_space<hbm>> -> memref<64x128xf32, #tpu.memory_space<hbm>>
      tpu.enqueue_dma source(%arg19 : memref<64x128xf32, #tpu.memory_space<vmem>>) target(%dma_start3A_115 : memref<64x128xf32, #tpu.memory_space<hbm>>) target_semaphore(%run_scoped3A : memref<!tpu.dma_semaphore, #tpu.memory_space<semaphore_mem>>)
      %dma_wait3A_116 = arith.constant 0 : i32
      %dma_wait3A_117 = tpu.memref_slice %arg8[%add3A, %mul3A_107, %dma_wait3A_116] : memref<8x256x128xf32, #tpu.memory_space<hbm>> -> memref<1x64x128xf32, #tpu.memory_space<hbm>>
      %dma_wait3A_118 = tpu.memref_squeeze %dma_wait3A_117 : memref<1x64x128xf32, #tpu.memory_space<hbm>> -> memref<64x128xf32, #tpu.memory_space<hbm>>
      %dma_wait3A_119 = arith.constant 0 : i32
      %dma_wait3A_120 = tpu.memref_slice %arg8[%add3A, %mul3A_107, %dma_wait3A_119] : memref<8x256x128xf32, #tpu.memory_space<hbm>> -> memref<1x64x128xf32, #tpu.memory_space<hbm>>
      %dma_wait3A_121 = tpu.memref_squeeze %dma_wait3A_120 : memref<1x64x128xf32, #tpu.memory_space<hbm>> -> memref<64x128xf32, #tpu.memory_space<hbm>>
      tpu.wait_dma2 semaphore(%run_scoped3A : memref<!tpu.dma_semaphore, #tpu.memory_space<semaphore_mem>>) src(%arg19 : memref<64x128xf32, #tpu.memory_space<vmem>>) dst(%dma_wait3A_121 : memref<64x128xf32, #tpu.memory_space<hbm>>)
      tpu.yield
    }) : () -> ()
    %mul3A_108 = arith.constant 64 : i32
    %mul3A_109 = arith.muli %select_n3A_30, %mul3A_108 : i32
    "tpu.region"() ({
      %run_scoped3A = tpu.sem_alloc : memref<!tpu.dma_semaphore, #tpu.memory_space<semaphore_mem>>
      %dma_start3A_110 = arith.constant 0 : i32
      %dma_start3A_111 = tpu.memref_slice %arg9[%add3A, %mul3A_109, %dma_start3A_110] : memref<8x256x128xf32, #tpu.memory_space<hbm>> -> memref<1x64x128xf32, #tpu.memory_space<hbm>>
      %dma_start3A_112 = tpu.memref_squeeze %dma_start3A_111 : memref<1x64x128xf32, #tpu.memory_space<hbm>> -> memref<64x128xf32, #tpu.memory_space<hbm>>
      %dma_start3A_113 = arith.constant 0 : i32
      %dma_start3A_114 = tpu.memref_slice %arg9[%add3A, %mul3A_109, %dma_start3A_113] : memref<8x256x128xf32, #tpu.memory_space<hbm>> -> memref<1x64x128xf32, #tpu.memory_space<hbm>>
      %dma_start3A_115 = tpu.memref_squeeze %dma_start3A_114 : memref<1x64x128xf32, #tpu.memory_space<hbm>> -> memref<64x128xf32, #tpu.memory_space<hbm>>
      tpu.enqueue_dma source(%arg20 : memref<64x128xf32, #tpu.memory_space<vmem>>) target(%dma_start3A_115 : memref<64x128xf32, #tpu.memory_space<hbm>>) target_semaphore(%run_scoped3A : memref<!tpu.dma_semaphore, #tpu.memory_space<semaphore_mem>>)
      %dma_wait3A_116 = arith.constant 0 : i32
      %dma_wait3A_117 = tpu.memref_slice %arg9[%add3A, %mul3A_109, %dma_wait3A_116] : memref<8x256x128xf32, #tpu.memory_space<hbm>> -> memref<1x64x128xf32, #tpu.memory_space<hbm>>
      %dma_wait3A_118 = tpu.memref_squeeze %dma_wait3A_117 : memref<1x64x128xf32, #tpu.memory_space<hbm>> -> memref<64x128xf32, #tpu.memory_space<hbm>>
      %dma_wait3A_119 = arith.constant 0 : i32
      %dma_wait3A_120 = tpu.memref_slice %arg9[%add3A, %mul3A_109, %dma_wait3A_119] : memref<8x256x128xf32, #tpu.memory_space<hbm>> -> memref<1x64x128xf32, #tpu.memory_space<hbm>>
      %dma_wait3A_121 = tpu.memref_squeeze %dma_wait3A_120 : memref<1x64x128xf32, #tpu.memory_space<hbm>> -> memref<64x128xf32, #tpu.memory_space<hbm>>
      tpu.wait_dma2 semaphore(%run_scoped3A : memref<!tpu.dma_semaphore, #tpu.memory_space<semaphore_mem>>) src(%arg20 : memref<64x128xf32, #tpu.memory_space<vmem>>) dst(%dma_wait3A_121 : memref<64x128xf32, #tpu.memory_space<hbm>>)
      tpu.yield
    }) : () -> ()
    return
  }
}

module attributes {stable_mosaic.version = 14 : i64} {
  func.func @_tc1_body(%arg0: i32, %arg1: memref<1x1024x128xf32, #tpu.memory_space<vmem>>, %arg2: memref<512x128xf32, #tpu.memory_space<vmem>>, %arg3: memref<512xf32, #tpu.memory_space<vmem>>, %arg4: memref<1x1024x1024xf32, #tpu.memory_space<vmem>>, %arg5: memref<1x8x1024xf32, #tpu.memory_space<vmem>>, %arg6: memref<1x1x128xf32, #tpu.memory_space<vmem>>, %arg7: memref<1x1024x128xf32, #tpu.memory_space<vmem>>, %arg8: memref<1024x512xf32, #tpu.memory_space<vmem>>) attributes {dimension_semantics = [#tpu.dimension_semantics<arbitrary>], iteration_bounds = array<i64: 8>, scalar_prefetch = 0 : i64, scratch_operands = 1 : i64, tpu.core_type = #tpu.core_type<tc>, window_params = [{transform_indices = @transform_0, window_bounds = array<i64: 1, 1024, 128>}, {pipeline_mode = #tpu.pipeline_mode<synchronous>, transform_indices = @transform_1, window_bounds = array<i64: 512, 128>}, {pipeline_mode = #tpu.pipeline_mode<synchronous>, transform_indices = @transform_2, window_bounds = array<i64: 512>}, {transform_indices = @transform_3, window_bounds = array<i64: 1, 1024, 1024>}, {transform_indices = @transform_4, window_bounds = array<i64: 1, 8, 1024>}, {transform_indices = @transform_5, window_bounds = array<i64: 1, 1, 128>}, {transform_indices = @transform_6, window_bounds = array<i64: 1, 1024, 128>}]} {
    %iota3A = tpu.iota {dimensions = array<i32: 1>} : vector<128x128xi32>
    %scan3A = arith.constant 0 : i32
    %scan3A_0 = arith.constant 8 : i32
    %scan3A_1 = arith.addi %scan3A, %scan3A_0 : i32
    %scan3A_2 = arith.constant 1 : i32
    scf.for %scan3A_32 = %scan3A to %scan3A_1 step %scan3A_2  : i32 {
      %mul3A = arith.constant 128 : i32
      %mul3A_33 = arith.muli %scan3A_32, %mul3A : i32
      %get3A_34 = arith.constant 0 : index
      %get3A_35 = arith.index_cast %mul3A_33 : i32 to index
      %get3A_36 = arith.constant 0 : index
      %get3A_37 = vector.load %arg1[%get3A_34, %get3A_35, %get3A_36] : memref<1x1024x128xf32, #tpu.memory_space<vmem>>, vector<1x128x128xf32>
      %get3A_38 = vector.shape_cast %get3A_37 : vector<1x128x128xf32> to vector<128x128xf32>
      %get3A_39 = arith.constant 0 : index
      %get3A_40 = arith.constant 0 : index
      %get3A_41 = vector.load %arg2[%get3A_39, %get3A_40] : memref<512x128xf32, #tpu.memory_space<vmem>>, vector<512x128xf32>
      %dot_general3A = arith.constant dense<0.000000e+00> : vector<128x512xf32>
      %dot_general3A_42 = tpu.matmul %get3A_38, %get3A_41, %dot_general3A {dimension_numbers = #tpu.dot_dimension_numbers<[1], [1], [0], [0], [0, 0, 1, 0], [], []>, transpose_lhs_hint = false} : vector<128x128xf32>, vector<512x128xf32>, vector<128x512xf32> -> vector<128x512xf32>
      %get3A_43 = arith.constant 0 : index
      %get3A_44 = vector.load %arg3[%get3A_43] : memref<512xf32, #tpu.memory_space<vmem>>, vector<512xf32>
      %broadcast_in_dim3A_45 = vector.shape_cast %get3A_44 : vector<512xf32> to vector<1x512xf32>
      %add3A_46 = vector.broadcast %broadcast_in_dim3A_45 : vector<1x512xf32> to vector<128x512xf32>
      %add3A_47 = arith.addf %dot_general3A_42, %add3A_46 : vector<128x512xf32>
      %mul3A_48 = arith.constant 128 : i32
      %mul3A_49 = arith.muli %scan3A_32, %mul3A_48 : i32
      %swap3A_50 = arith.index_cast %mul3A_49 : i32 to index
      %swap3A_51 = arith.constant 0 : index
      %swap3A_52 = vector.load %arg8[%swap3A_50, %swap3A_51] : memref<1024x512xf32, #tpu.memory_space<vmem>>, vector<128x512xf32>
      tpu.vector_store %arg8[%swap3A_50, %swap3A_51], %add3A_47 {strides = array<i32>} : memref<1024x512xf32, #tpu.memory_space<vmem>>, vector<128x512xf32>,
      %lt3A = arith.constant 6 : i32
      %lt3A_53 = vector.broadcast %lt3A : i32 to vector<128x128xi32>
      %lt3A_54 = arith.cmpi slt, %iota3A, %lt3A_53 : vector<128x128xi32>
      %jit3A = arith.constant 0.000000e+00 : f32
      %broadcast_in_dim3A_55 = vector.broadcast %jit3A : f32 to vector<128x128xf32>
      %select_n3A = arith.select %lt3A_54, %get3A_38, %broadcast_in_dim3A_55 : vector<128x128xi1>, vector<128x128xf32>
      %mul3A_56 = arith.constant 128 : i32
      %mul3A_57 = arith.muli %scan3A_32, %mul3A_56 : i32
      %swap3A_58 = arith.constant 0 : index
      %swap3A_59 = arith.index_cast %mul3A_57 : i32 to index
      %swap3A_60 = arith.constant 0 : index
      %swap3A_61 = vector.load %arg7[%swap3A_58, %swap3A_59, %swap3A_60] : memref<1x1024x128xf32, #tpu.memory_space<vmem>>, vector<1x128x128xf32>
      %swap3A_62 = vector.shape_cast %swap3A_61 : vector<1x128x128xf32> to vector<128x128xf32>
      %swap3A_63 = vector.shape_cast %select_n3A : vector<128x128xf32> to vector<1x128x128xf32>
      tpu.vector_store %arg7[%swap3A_58, %swap3A_59, %swap3A_60], %swap3A_63 {strides = array<i32>} : memref<1x1024x128xf32, #tpu.memory_space<vmem>>, vector<1x128x128xf32>,
    }
    %scan3A_3 = arith.constant 8 : i32
    %scan3A_4 = arith.constant 0 : i32
    %scan3A_5 = arith.constant 8 : i32
    %scan3A_6 = arith.addi %scan3A_4, %scan3A_5 : i32
    %scan3A_7 = arith.constant 1 : i32
    scf.for %scan3A_32 = %scan3A_4 to %scan3A_6 step %scan3A_7  : i32 {
      %mul3A = arith.constant 128 : i32
      %mul3A_33 = arith.muli %scan3A_32, %mul3A : i32
      %get3A_34 = arith.index_cast %mul3A_33 : i32 to index
      %get3A_35 = arith.constant 256 : index
      %get3A_36 = vector.load %arg8[%get3A_34, %get3A_35] : memref<1024x512xf32, #tpu.memory_space<vmem>>, vector<128x256xf32>
      %get3A_37 = arith.constant 0 : index
      %get3A_38 = arith.constant 0 : index
      %get3A_39 = vector.load %arg8[%get3A_37, %get3A_38] : memref<1024x512xf32, #tpu.memory_space<vmem>>, vector<1024x256xf32>
      %dot_general3A = arith.constant dense<0.000000e+00> : vector<128x1024xf32>
      %dot_general3A_40 = tpu.matmul %get3A_36, %get3A_39, %dot_general3A {dimension_numbers = #tpu.dot_dimension_numbers<[1], [1], [0], [0], [0, 0, 1, 0], [], []>, transpose_lhs_hint = false} : vector<128x256xf32>, vector<1024x256xf32>, vector<128x1024xf32> -> vector<128x1024xf32>
      %mul3A_41 = arith.constant 128 : i32
      %mul3A_42 = arith.muli %scan3A_32, %mul3A_41 : i32
      %swap3A_43 = arith.constant 0 : index
      %swap3A_44 = arith.index_cast %mul3A_42 : i32 to index
      %swap3A_45 = arith.constant 0 : index
      %swap3A_46 = vector.load %arg4[%swap3A_43, %swap3A_44, %swap3A_45] : memref<1x1024x1024xf32, #tpu.memory_space<vmem>>, vector<1x128x1024xf32>
      %swap3A_47 = vector.shape_cast %swap3A_46 : vector<1x128x1024xf32> to vector<128x1024xf32>
      %swap3A_48 = vector.shape_cast %dot_general3A_40 : vector<128x1024xf32> to vector<1x128x1024xf32>
      tpu.vector_store %arg4[%swap3A_43, %swap3A_44, %swap3A_45], %swap3A_48 {strides = array<i32>} : memref<1x1024x1024xf32, #tpu.memory_space<vmem>>, vector<1x128x1024xf32>,
      %reshape3A = vector.shape_cast %dot_general3A_40 : vector<128x1024xf32> to vector<128x8x128xf32>
      %reduce_max3A_49 = arith.constant dense<0xFF800000> : vector<128x8xf32>
      %reduce_max3A_50 = vector.multi_reduction <maximumf>, %reshape3A, %reduce_max3A_49 [2] : vector<128x8x128xf32> to vector<128x8xf32>
      %transpose3A = tpu.transpose %reduce_max3A_50, [1, 0] : vector<128x8xf32> -> vector<8x128xf32>
      %mul3A_51 = arith.constant 128 : i32
      %mul3A_52 = arith.muli %scan3A_32, %mul3A_51 : i32
      %swap3A_53 = arith.constant 0 : index
      %swap3A_54 = arith.constant 0 : index
      %swap3A_55 = arith.index_cast %mul3A_52 : i32 to index
      %swap3A_56 = vector.load %arg5[%swap3A_53, %swap3A_54, %swap3A_55] : memref<1x8x1024xf32, #tpu.memory_space<vmem>>, vector<1x8x128xf32>
      %swap3A_57 = vector.shape_cast %swap3A_56 : vector<1x8x128xf32> to vector<8x128xf32>
      %swap3A_58 = vector.shape_cast %transpose3A : vector<8x128xf32> to vector<1x8x128xf32>
      tpu.vector_store %arg5[%swap3A_53, %swap3A_54, %swap3A_55], %swap3A_58 {strides = array<i32>} : memref<1x8x1024xf32, #tpu.memory_space<vmem>>, vector<1x8x128xf32>,
    }
    %scan3A_8 = arith.constant 8 : i32
    %get3A = arith.constant 0 : index
    %get3A_9 = arith.constant 0 : index
    %get3A_10 = arith.constant 0 : index
    %get3A_11 = vector.load %arg5[%get3A, %get3A_9, %get3A_10] : memref<1x8x1024xf32, #tpu.memory_space<vmem>>, vector<1x8x1024xf32>
    %get3A_12 = vector.shape_cast %get3A_11 : vector<1x8x1024xf32> to vector<8x1024xf32>
    %reduce_min3A = vector.shape_cast %get3A_12 : vector<8x1024xf32> to vector<1x8x1024xf32>
    %reduce_min3A_13 = arith.constant dense<0x7F800000> : vector<1xf32>
    %reduce_min3A_14 = vector.multi_reduction <minimumf>, %reduce_min3A, %reduce_min3A_13 [1, 2] : vector<1x8x1024xf32> to vector<1xf32>
    %reduce_min3A_15 = vector.shape_cast %reduce_min3A_14 : vector<1xf32> to vector<1x1x1xf32>
    %reduce_min3A_16 = vector.extract %reduce_min3A_15[0, 0, 0] : f32 from vector<1x1x1xf32>
    %reduce_max3A = vector.shape_cast %get3A_12 : vector<8x1024xf32> to vector<1x8x1024xf32>
    %reduce_max3A_17 = arith.constant dense<0xFF800000> : vector<1xf32>
    %reduce_max3A_18 = vector.multi_reduction <maximumf>, %reduce_max3A, %reduce_max3A_17 [1, 2] : vector<1x8x1024xf32> to vector<1xf32>
    %reduce_max3A_19 = vector.shape_cast %reduce_max3A_18 : vector<1xf32> to vector<1x1x1xf32>
    %reduce_max3A_20 = vector.extract %reduce_max3A_19[0, 0, 0] : f32 from vector<1x1x1xf32>
    %add3A = arith.constant 1.000000e+00 : f32
    %add3A_21 = arith.addf %reduce_max3A_20, %add3A : f32
    %scan3A_22 = arith.constant 0 : i32
    %scan3A_23 = arith.constant 14 : i32
    %scan3A_24 = arith.addi %scan3A_22, %scan3A_23 : i32
    %scan3A_25 = arith.constant 1 : i32
    %scan3A_26:2 = scf.for %scan3A_32 = %scan3A_22 to %scan3A_24 step %scan3A_25 iter_args(%scan3A_33 = %reduce_min3A_16, %scan3A_34 = %add3A_21) -> (f32, f32)  : i32 {
      %add3A_35 = arith.addf %scan3A_33, %scan3A_34 : f32
      %mul3A = arith.constant 5.000000e-01 : f32
      %mul3A_36 = arith.mulf %add3A_35, %mul3A : f32
      %ge3A = vector.broadcast %mul3A_36 : f32 to vector<8x1024xf32>
      %ge3A_37 = arith.cmpf oge, %get3A_12, %ge3A : vector<8x1024xf32>
      %convert_element_type3A = arith.extui %ge3A_37 : vector<8x1024xi1> to vector<8x1024xi32>
      %reduce_sum3A = vector.shape_cast %convert_element_type3A : vector<8x1024xi32> to vector<1x8x1024xi32>
      %reduce_sum3A_38 = arith.constant dense<0> : vector<1xi32>
      %reduce_sum3A_39 = vector.multi_reduction <add>, %reduce_sum3A, %reduce_sum3A_38 [1, 2] : vector<1x8x1024xi32> to vector<1xi32>
      %reduce_sum3A_40 = vector.shape_cast %reduce_sum3A_39 : vector<1xi32> to vector<1x1x1xi32>
      %reduce_sum3A_41 = vector.extract %reduce_sum3A_40[0, 0, 0] : i32 from vector<1x1x1xi32>
      %ge3A_42 = arith.constant 128 : i32
      %ge3A_43 = arith.cmpi sge, %reduce_sum3A_41, %ge3A_42 : i32
      %select_n3A = arith.select %ge3A_43, %mul3A_36, %scan3A_33 : f32
      %select_n3A_44 = arith.select %ge3A_43, %scan3A_34, %mul3A_36 : f32
      scf.yield %select_n3A, %select_n3A_44 : f32, f32
    }
    %broadcast_in_dim3A = vector.broadcast %scan3A_26#0 : f32 to vector<1x128xf32>
    %swap3A = arith.constant 0 : index
    %swap3A_27 = arith.constant 0 : index
    %swap3A_28 = arith.constant 0 : index
    %swap3A_29 = vector.load %arg6[%swap3A, %swap3A_27, %swap3A_28] : memref<1x1x128xf32, #tpu.memory_space<vmem>>, vector<1x1x128xf32>
    %swap3A_30 = vector.shape_cast %swap3A_29 : vector<1x1x128xf32> to vector<1x128xf32>
    %swap3A_31 = vector.shape_cast %broadcast_in_dim3A : vector<1x128xf32> to vector<1x1x128xf32>
    tpu.vector_store %arg6[%swap3A, %swap3A_27, %swap3A_28], %swap3A_31 {strides = array<i32>} : memref<1x1x128xf32, #tpu.memory_space<vmem>>, vector<1x1x128xf32>,
    return
  }
  func.func @transform_0(%arg0: i32) -> (i32, i32, i32) {
    %c0_i32 = arith.constant 0 : i32
    %c0_i32_0 = arith.constant 0 : i32
    %c0_i32_1 = arith.constant 0 : i32
    return %arg0, %c0_i32, %c0_i32_0 : i32, i32, i32
  }
  func.func @transform_1(%arg0: i32) -> (i32, i32) {
    %c0_i32 = arith.constant 0 : i32
    %c0_i32_0 = arith.constant 0 : i32
    %c0_i32_1 = arith.constant 0 : i32
    return %c0_i32, %c0_i32_0 : i32, i32
  }
  func.func @transform_2(%arg0: i32) -> i32 {
    %c0_i32 = arith.constant 0 : i32
    %c0_i32_0 = arith.constant 0 : i32
    return %c0_i32 : i32
  }
  func.func @transform_3(%arg0: i32) -> (i32, i32, i32) {
    %c0_i32 = arith.constant 0 : i32
    %c0_i32_0 = arith.constant 0 : i32
    %c0_i32_1 = arith.constant 0 : i32
    return %arg0, %c0_i32, %c0_i32_0 : i32, i32, i32
  }
  func.func @transform_4(%arg0: i32) -> (i32, i32, i32) {
    %c0_i32 = arith.constant 0 : i32
    %c0_i32_0 = arith.constant 0 : i32
    %c0_i32_1 = arith.constant 0 : i32
    return %arg0, %c0_i32, %c0_i32_0 : i32, i32, i32
  }
  func.func @transform_5(%arg0: i32) -> (i32, i32, i32) {
    %c0_i32 = arith.constant 0 : i32
    %c0_i32_0 = arith.constant 0 : i32
    %c0_i32_1 = arith.constant 0 : i32
    return %arg0, %c0_i32, %c0_i32_0 : i32, i32, i32
  }
  func.func @transform_6(%arg0: i32) -> (i32, i32, i32) {
    %c0_i32 = arith.constant 0 : i32
    %c0_i32_0 = arith.constant 0 : i32
    %c0_i32_1 = arith.constant 0 : i32
    return %arg0, %c0_i32, %c0_i32_0 : i32, i32, i32
  }
}

module attributes {stable_mosaic.version = 14 : i64} {
  func.func @_tc2_body(%arg0: i32, %arg1: memref<1x1x256xf32, #tpu.memory_space<vmem>>, %arg2: memref<1x1x256xi32, #tpu.memory_space<vmem>>, %arg3: memref<1x1x128xf32, #tpu.memory_space<vmem>>, %arg4: memref<1x256x128xf32, #tpu.memory_space<vmem>>, %arg5: memref<1x256x128xf32, #tpu.memory_space<vmem>>, %arg6: memref<256x6xf32, #tpu.memory_space<vmem>>, %arg7: memref<256xf32, #tpu.memory_space<vmem>>, %arg8: memref<256x256xf32, #tpu.memory_space<vmem>>, %arg9: memref<256xf32, #tpu.memory_space<vmem>>, %arg10: memref<256x12xf32, #tpu.memory_space<vmem>>, %arg11: memref<256xf32, #tpu.memory_space<vmem>>, %arg12: memref<256x256xf32, #tpu.memory_space<vmem>>, %arg13: memref<256xf32, #tpu.memory_space<vmem>>, %arg14: memref<256x256xf32, #tpu.memory_space<vmem>>, %arg15: memref<256xf32, #tpu.memory_space<vmem>>, %arg16: memref<128x256xf32, #tpu.memory_space<vmem>>, %arg17: memref<128xf32, #tpu.memory_space<vmem>>, %arg18: memref<1x1x128xf32, #tpu.memory_space<vmem>>) attributes {dimension_semantics = [#tpu.dimension_semantics<arbitrary>], iteration_bounds = array<i64: 8>, scalar_prefetch = 0 : i64, scratch_operands = 0 : i64, tpu.core_type = #tpu.core_type<tc>, window_params = [{transform_indices = @transform_0, window_bounds = array<i64: 1, 1, 256>}, {transform_indices = @transform_1, window_bounds = array<i64: 1, 1, 256>}, {transform_indices = @transform_2, window_bounds = array<i64: 1, 1, 128>}, {transform_indices = @transform_3, window_bounds = array<i64: 1, 256, 128>}, {transform_indices = @transform_4, window_bounds = array<i64: 1, 256, 128>}, {pipeline_mode = #tpu.pipeline_mode<synchronous>, transform_indices = @transform_5, window_bounds = array<i64: 256, 6>}, {pipeline_mode = #tpu.pipeline_mode<synchronous>, transform_indices = @transform_6, window_bounds = array<i64: 256>}, {pipeline_mode = #tpu.pipeline_mode<synchronous>, transform_indices = @transform_7, window_bounds = array<i64: 256, 256>}, {pipeline_mode = #tpu.pipeline_mode<synchronous>, transform_indices = @transform_8, window_bounds = array<i64: 256>}, {pipeline_mode = #tpu.pipeline_mode<synchronous>, transform_indices = @transform_9, window_bounds = array<i64: 256, 12>}, {pipeline_mode = #tpu.pipeline_mode<synchronous>, transform_indices = @transform_10, window_bounds = array<i64: 256>}, {pipeline_mode = #tpu.pipeline_mode<synchronous>, transform_indices = @transform_11, window_bounds = array<i64: 256, 256>}, {pipeline_mode = #tpu.pipeline_mode<synchronous>, transform_indices = @transform_12, window_bounds = array<i64: 256>}, {pipeline_mode = #tpu.pipeline_mode<synchronous>, transform_indices = @transform_13, window_bounds = array<i64: 256, 256>}, {pipeline_mode = #tpu.pipeline_mode<synchronous>, transform_indices = @transform_14, window_bounds = array<i64: 256>}, {pipeline_mode = #tpu.pipeline_mode<synchronous>, transform_indices = @transform_15, window_bounds = array<i64: 128, 256>}, {pipeline_mode = #tpu.pipeline_mode<synchronous>, transform_indices = @transform_16, window_bounds = array<i64: 128>}, {transform_indices = @transform_17, window_bounds = array<i64: 1, 1, 128>}]} {
    %get3A = arith.constant 0 : index
    %get3A_0 = arith.constant 0 : index
    %get3A_1 = arith.constant 0 : index
    %get3A_2 = vector.load %arg1[%get3A, %get3A_0, %get3A_1] : memref<1x1x256xf32, #tpu.memory_space<vmem>>, vector<1x1x256xf32>
    %get3A_3 = vector.shape_cast %get3A_2 : vector<1x1x256xf32> to vector<1x256xf32>
    %get3A_4 = arith.constant 0 : index
    %get3A_5 = arith.constant 0 : index
    %get3A_6 = arith.constant 0 : index
    %get3A_7 = vector.load %arg2[%get3A_4, %get3A_5, %get3A_6] : memref<1x1x256xi32, #tpu.memory_space<vmem>>, vector<1x1x256xi32>
    %get3A_8 = vector.shape_cast %get3A_7 : vector<1x1x256xi32> to vector<1x256xi32>
    %get3A_9 = arith.constant 0 : index
    %get3A_10 = arith.constant 0 : index
    %get3A_11 = arith.constant 0 : index
    %get3A_12 = vector.load %arg3[%get3A_9, %get3A_10, %get3A_11] : memref<1x1x128xf32, #tpu.memory_space<vmem>>, vector<1x1x1xf32>
    %get3A_13 = vector.extract %get3A_12[0, 0, 0] : f32 from vector<1x1x1xf32>
    %reduce_max3A = vector.shape_cast %get3A_3 : vector<1x256xf32> to vector<1x1x256xf32>
    %reduce_max3A_14 = arith.constant dense<0xFF800000> : vector<1xf32>
    %reduce_max3A_15 = vector.multi_reduction <maximumf>, %reduce_max3A, %reduce_max3A_14 [1, 2] : vector<1x1x256xf32> to vector<1xf32>
    %reduce_max3A_16 = vector.shape_cast %reduce_max3A_15 : vector<1xf32> to vector<1x1x1xf32>
    %reduce_max3A_17 = vector.extract %reduce_max3A_16[0, 0, 0] : f32 from vector<1x1x1xf32>
    %add3A = arith.constant 1.000000e+00 : f32
    %add3A_18 = arith.addf %reduce_max3A_17, %add3A : f32
    %iota3A = tpu.iota {dimensions = array<i32: 0>} : vector<16x1xi32>
    %convert_element_type3A = arith.sitofp %iota3A : vector<16x1xi32> to vector<16x1xf32>
    %add3A_19 = arith.constant 1.000000e+00 : f32
    %add3A_20 = vector.broadcast %add3A_19 : f32 to vector<16x1xf32>
    %add3A_21 = arith.addf %convert_element_type3A, %add3A_20 : vector<16x1xf32>
    %mul3A = arith.constant 0.0588235296 : f32
    %mul3A_22 = vector.broadcast %mul3A : f32 to vector<16x1xf32>
    %mul3A_23 = arith.mulf %add3A_21, %mul3A_22 : vector<16x1xf32>
    %scan3A = arith.constant 0 : i32
    %scan3A_24 = arith.constant 10 : i32
    %scan3A_25 = arith.addi %scan3A, %scan3A_24 : i32
    %scan3A_26 = arith.constant 1 : i32
    %scan3A_27:2 = scf.for %scan3A_191 = %scan3A to %scan3A_25 step %scan3A_26 iter_args(%scan3A_192 = %get3A_13, %scan3A_193 = %add3A_18) -> (f32, f32)  : i32 {
      %sub3A_194 = arith.subf %scan3A_193, %scan3A_192 : f32
      %mul3A_195 = vector.broadcast %sub3A_194 : f32 to vector<16x1xf32>
      %mul3A_196 = arith.mulf %mul3A_195, %mul3A_23 : vector<16x1xf32>
      %add3A_197 = vector.broadcast %scan3A_192 : f32 to vector<16x1xf32>
      %add3A_198 = arith.addf %add3A_197, %mul3A_196 : vector<16x1xf32>
      %ge3A_199 = vector.broadcast %get3A_3 : vector<1x256xf32> to vector<16x256xf32>
      %ge3A_200 = vector.broadcast %add3A_198 : vector<16x1xf32> to vector<16x256xf32>
      %ge3A_201 = arith.cmpf oge, %ge3A_199, %ge3A_200 : vector<16x256xf32>
      %convert_element_type3A_202 = arith.extui %ge3A_201 : vector<16x256xi1> to vector<16x256xi32>
      %reduce_sum3A_203 = arith.constant dense<0> : vector<16xi32>
      %reduce_sum3A_204 = vector.multi_reduction <add>, %convert_element_type3A_202, %reduce_sum3A_203 [1] : vector<16x256xi32> to vector<16xi32>
      %broadcast_in_dim3A_205 = vector.shape_cast %reduce_sum3A_204 : vector<16xi32> to vector<16x1xi32>
      %ge3A_206 = arith.constant 128 : i32
      %ge3A_207 = vector.broadcast %ge3A_206 : i32 to vector<16x1xi32>
      %ge3A_208 = arith.cmpi sge, %broadcast_in_dim3A_205, %ge3A_207 : vector<16x1xi32>
      %broadcast_in_dim3A_209 = vector.broadcast %scan3A_192 : f32 to vector<16x1xf32>
      %select_n3A_210 = arith.select %ge3A_208, %add3A_198, %broadcast_in_dim3A_209 : vector<16x1xi1>, vector<16x1xf32>
      %reduce_max3A_211 = vector.shape_cast %select_n3A_210 : vector<16x1xf32> to vector<1x16x1xf32>
      %reduce_max3A_212 = arith.constant dense<0xFF800000> : vector<1xf32>
      %reduce_max3A_213 = vector.multi_reduction <maximumf>, %reduce_max3A_211, %reduce_max3A_212 [1, 2] : vector<1x16x1xf32> to vector<1xf32>
      %reduce_max3A_214 = vector.shape_cast %reduce_max3A_213 : vector<1xf32> to vector<1x1x1xf32>
      %reduce_max3A_215 = vector.extract %reduce_max3A_214[0, 0, 0] : f32 from vector<1x1x1xf32>
      %broadcast_in_dim3A_216 = vector.broadcast %scan3A_193 : f32 to vector<16x1xf32>
      %select_n3A_217 = arith.select %ge3A_208, %broadcast_in_dim3A_216, %add3A_198 : vector<16x1xi1>, vector<16x1xf32>
      %reduce_min3A = vector.shape_cast %select_n3A_217 : vector<16x1xf32> to vector<1x16x1xf32>
      %reduce_min3A_218 = arith.constant dense<0x7F800000> : vector<1xf32>
      %reduce_min3A_219 = vector.multi_reduction <minimumf>, %reduce_min3A, %reduce_min3A_218 [1, 2] : vector<1x16x1xf32> to vector<1xf32>
      %reduce_min3A_220 = vector.shape_cast %reduce_min3A_219 : vector<1xf32> to vector<1x1x1xf32>
      %reduce_min3A_221 = vector.extract %reduce_min3A_220[0, 0, 0] : f32 from vector<1x1x1xf32>
      scf.yield %reduce_max3A_215, %reduce_min3A_221 : f32, f32
    }
    %ge3A = vector.broadcast %scan3A_27#0 : f32 to vector<1x256xf32>
    %ge3A_28 = arith.cmpf oge, %get3A_3, %ge3A : vector<1x256xf32>
    %eq3A = vector.broadcast %scan3A_27#0 : f32 to vector<1x256xf32>
    %eq3A_29 = arith.cmpf oeq, %get3A_3, %eq3A : vector<1x256xf32>
    %gt3A = vector.broadcast %scan3A_27#0 : f32 to vector<1x256xf32>
    %gt3A_30 = arith.cmpf ogt, %get3A_3, %gt3A : vector<1x256xf32>
    %convert_element_type3A_31 = arith.extui %gt3A_30 : vector<1x256xi1> to vector<1x256xi32>
    %reduce_sum3A = vector.shape_cast %convert_element_type3A_31 : vector<1x256xi32> to vector<1x1x256xi32>
    %reduce_sum3A_32 = arith.constant dense<0> : vector<1xi32>
    %reduce_sum3A_33 = vector.multi_reduction <add>, %reduce_sum3A, %reduce_sum3A_32 [1, 2] : vector<1x1x256xi32> to vector<1xi32>
    %reduce_sum3A_34 = vector.shape_cast %reduce_sum3A_33 : vector<1xi32> to vector<1x1x1xi32>
    %reduce_sum3A_35 = vector.extract %reduce_sum3A_34[0, 0, 0] : i32 from vector<1x1x1xi32>
    %convert_element_type3A_36 = arith.extui %eq3A_29 : vector<1x256xi1> to vector<1x256xi32>
    %reduce_sum3A_37 = vector.shape_cast %convert_element_type3A_36 : vector<1x256xi32> to vector<1x1x256xi32>
    %reduce_sum3A_38 = arith.constant dense<0> : vector<1xi32>
    %reduce_sum3A_39 = vector.multi_reduction <add>, %reduce_sum3A_37, %reduce_sum3A_38 [1, 2] : vector<1x1x256xi32> to vector<1xi32>
    %reduce_sum3A_40 = vector.shape_cast %reduce_sum3A_39 : vector<1xi32> to vector<1x1x1xi32>
    %reduce_sum3A_41 = vector.extract %reduce_sum3A_40[0, 0, 0] : i32 from vector<1x1x1xi32>
    %sub3A = arith.constant 128 : i32
    %sub3A_42 = arith.subi %sub3A, %reduce_sum3A_35 : i32
    %convert_element_type3A_43 = arith.sitofp %sub3A_42 : i32 to f32
    %convert_element_type3A_44 = arith.sitofp %reduce_sum3A_41 : i32 to f32
    %div3A = arith.divf %convert_element_type3A_43, %convert_element_type3A_44 : f32
    %jit3A = arith.constant 1.000000e+00 : f32
    %broadcast_in_dim3A = vector.broadcast %div3A : f32 to vector<1x256xf32>
    %broadcast_in_dim3A_45 = vector.broadcast %jit3A : f32 to vector<1x256xf32>
    %select_n3A = arith.select %eq3A_29, %broadcast_in_dim3A, %broadcast_in_dim3A_45 : vector<1x256xi1>, vector<1x256xf32>
    %convert_element_type3A_46 = arith.extui %ge3A_28 : vector<1x256xi1> to vector<1x256xi32>
    %convert_element_type3A_47 = arith.sitofp %convert_element_type3A_46 : vector<1x256xi32> to vector<1x256xf32>
    %mul3A_48 = arith.mulf %select_n3A, %convert_element_type3A_47 : vector<1x256xf32>
    %jit3A_49 = arith.constant -1.000000e+30 : f32
    %broadcast_in_dim3A_50 = vector.broadcast %jit3A_49 : f32 to vector<1x256xf32>
    %select_n3A_51 = arith.select %ge3A_28, %get3A_3, %broadcast_in_dim3A_50 : vector<1x256xi1>, vector<1x256xf32>
    %reduce_max3A_52 = vector.shape_cast %select_n3A_51 : vector<1x256xf32> to vector<1x1x256xf32>
    %reduce_max3A_53 = arith.constant dense<0xFF800000> : vector<1xf32>
    %reduce_max3A_54 = vector.multi_reduction <maximumf>, %reduce_max3A_52, %reduce_max3A_53 [1, 2] : vector<1x1x256xf32> to vector<1xf32>
    %reduce_max3A_55 = vector.shape_cast %reduce_max3A_54 : vector<1xf32> to vector<1x1x1xf32>
    %reduce_max3A_56 = vector.extract %reduce_max3A_55[0, 0, 0] : f32 from vector<1x1x1xf32>
    %sub3A_57 = vector.broadcast %reduce_max3A_56 : f32 to vector<1x256xf32>
    %sub3A_58 = arith.subf %get3A_3, %sub3A_57 : vector<1x256xf32>
    %exp3A = math.exp %sub3A_58 : vector<1x256xf32>
    %mul3A_59 = arith.mulf %exp3A, %mul3A_48 : vector<1x256xf32>
    %reduce_sum3A_60 = vector.shape_cast %mul3A_59 : vector<1x256xf32> to vector<1x1x256xf32>
    %reduce_sum3A_61 = arith.constant dense<0.000000e+00> : vector<1xf32>
    %reduce_sum3A_62 = vector.multi_reduction <add>, %reduce_sum3A_60, %reduce_sum3A_61 [1, 2] : vector<1x1x256xf32> to vector<1xf32>
    %reduce_sum3A_63 = vector.shape_cast %reduce_sum3A_62 : vector<1xf32> to vector<1x1x1xf32>
    %reduce_sum3A_64 = vector.extract %reduce_sum3A_63[0, 0, 0] : f32 from vector<1x1x1xf32>
    %div3A_65 = vector.broadcast %reduce_sum3A_64 : f32 to vector<1x256xf32>
    %div3A_66 = arith.divf %mul3A_59, %div3A_65 : vector<1x256xf32>
    %jit3A_67 = arith.constant 1024 : i32
    %div3A_68 = vector.broadcast %jit3A_67 : i32 to vector<1x256xi32>
    %div3A_69 = arith.divsi %get3A_8, %div3A_68 : vector<1x256xi32>
    %sign3A = arith.constant 0 : i32
    %sign3A_70 = vector.broadcast %sign3A : i32 to vector<1x256xi32>
    %sign3A_71 = arith.cmpi sgt, %get3A_8, %sign3A_70 : vector<1x256xi32>
    %sign3A_72 = arith.extui %sign3A_71 : vector<1x256xi1> to vector<1x256xi32>
    %sign3A_73 = arith.constant 0 : i32
    %sign3A_74 = vector.broadcast %sign3A_73 : i32 to vector<1x256xi32>
    %sign3A_75 = arith.cmpi slt, %get3A_8, %sign3A_74 : vector<1x256xi32>
    %sign3A_76 = arith.extui %sign3A_75 : vector<1x256xi1> to vector<1x256xi32>
    %sign3A_77 = arith.subi %sign3A_72, %sign3A_76 : vector<1x256xi32>
    %sign3A_78 = arith.constant 0 : i32
    %sign3A_79 = arith.cmpi sgt, %jit3A_67, %sign3A_78 : i32
    %sign3A_80 = arith.extui %sign3A_79 : i1 to i32
    %sign3A_81 = arith.constant 0 : i32
    %sign3A_82 = arith.cmpi slt, %jit3A_67, %sign3A_81 : i32
    %sign3A_83 = arith.extui %sign3A_82 : i1 to i32
    %sign3A_84 = arith.subi %sign3A_80, %sign3A_83 : i32
    %ne3A = vector.broadcast %sign3A_84 : i32 to vector<1x256xi32>
    %ne3A_85 = arith.cmpi ne, %sign3A_77, %ne3A : vector<1x256xi32>
    %rem3A = vector.broadcast %jit3A_67 : i32 to vector<1x256xi32>
    %rem3A_86 = arith.remsi %get3A_8, %rem3A : vector<1x256xi32>
    %ne3A_87 = arith.constant 0 : i32
    %ne3A_88 = vector.broadcast %ne3A_87 : i32 to vector<1x256xi32>
    %ne3A_89 = arith.cmpi ne, %rem3A_86, %ne3A_88 : vector<1x256xi32>
    %and3A = arith.andi %ne3A_85, %ne3A_89 : vector<1x256xi1>
    %sub3A_90 = arith.constant 1 : i32
    %sub3A_91 = vector.broadcast %sub3A_90 : i32 to vector<1x256xi32>
    %sub3A_92 = arith.subi %div3A_69, %sub3A_91 : vector<1x256xi32>
    %select_n3A_93 = arith.select %and3A, %sub3A_92, %div3A_69 : vector<1x256xi1>, vector<1x256xi32>
    %mul3A_94 = arith.constant 1024 : i32
    %mul3A_95 = vector.broadcast %mul3A_94 : i32 to vector<1x256xi32>
    %mul3A_96 = arith.muli %select_n3A_93, %mul3A_95 : vector<1x256xi32>
    %sub3A_97 = arith.subi %get3A_8, %mul3A_96 : vector<1x256xi32>
    %get3A_98 = arith.constant 0 : index
    %get3A_99 = arith.constant 0 : index
    %get3A_100 = arith.constant 0 : index
    %get3A_101 = vector.load %arg4[%get3A_98, %get3A_99, %get3A_100] : memref<1x256x128xf32, #tpu.memory_space<vmem>>, vector<1x256x6xf32>
    %get3A_102 = vector.shape_cast %get3A_101 : vector<1x256x6xf32> to vector<256x6xf32>
    %get3A_103 = arith.constant 0 : index
    %get3A_104 = arith.constant 0 : index
    %get3A_105 = arith.constant 0 : index
    %get3A_106 = vector.load %arg5[%get3A_103, %get3A_104, %get3A_105] : memref<1x256x128xf32, #tpu.memory_space<vmem>>, vector<1x256x6xf32>
    %get3A_107 = vector.shape_cast %get3A_106 : vector<1x256x6xf32> to vector<256x6xf32>
    %get3A_108 = arith.constant 0 : index
    %get3A_109 = arith.constant 0 : index
    %get3A_110 = vector.load %arg6[%get3A_108, %get3A_109] : memref<256x6xf32, #tpu.memory_space<vmem>>, vector<256x6xf32>
    %dot_general3A = arith.constant dense<0.000000e+00> : vector<256x256xf32>
    %dot_general3A_111 = tpu.matmul %get3A_102, %get3A_110, %dot_general3A {dimension_numbers = #tpu.dot_dimension_numbers<[1], [1], [0], [0], [0, 0, 1, 0], [], []>, transpose_lhs_hint = false} : vector<256x6xf32>, vector<256x6xf32>, vector<256x256xf32> -> vector<256x256xf32>
    %get3A_112 = arith.constant 0 : index
    %get3A_113 = vector.load %arg7[%get3A_112] : memref<256xf32, #tpu.memory_space<vmem>>, vector<256xf32>
    %broadcast_in_dim3A_114 = vector.shape_cast %get3A_113 : vector<256xf32> to vector<1x256xf32>
    %add3A_115 = vector.broadcast %broadcast_in_dim3A_114 : vector<1x256xf32> to vector<256x256xf32>
    %add3A_116 = arith.addf %dot_general3A_111, %add3A_115 : vector<256x256xf32>
    %max3A = arith.constant 0.000000e+00 : f32
    %max3A_117 = vector.broadcast %max3A : f32 to vector<256x256xf32>
    %max3A_118 = arith.maximumf %add3A_116, %max3A_117 : vector<256x256xf32>
    %get3A_119 = arith.constant 0 : index
    %get3A_120 = arith.constant 0 : index
    %get3A_121 = vector.load %arg8[%get3A_119, %get3A_120] : memref<256x256xf32, #tpu.memory_space<vmem>>, vector<256x256xf32>
    %dot_general3A_122 = arith.constant dense<0.000000e+00> : vector<256x256xf32>
    %dot_general3A_123 = tpu.matmul %max3A_118, %get3A_121, %dot_general3A_122 {dimension_numbers = #tpu.dot_dimension_numbers<[1], [1], [0], [0], [0, 0, 1, 0], [], []>, transpose_lhs_hint = false} : vector<256x256xf32>, vector<256x256xf32>, vector<256x256xf32> -> vector<256x256xf32>
    %get3A_124 = arith.constant 0 : index
    %get3A_125 = vector.load %arg9[%get3A_124] : memref<256xf32, #tpu.memory_space<vmem>>, vector<256xf32>
    %broadcast_in_dim3A_126 = vector.shape_cast %get3A_125 : vector<256xf32> to vector<1x256xf32>
    %add3A_127 = vector.broadcast %broadcast_in_dim3A_126 : vector<1x256xf32> to vector<256x256xf32>
    %add3A_128 = arith.addf %dot_general3A_123, %add3A_127 : vector<256x256xf32>
    %concatenate3A = tpu.concatenate %get3A_102, %get3A_107 in 1 : vector<256x6xf32>, vector<256x6xf32> -> vector<256x12xf32>
    %get3A_129 = arith.constant 0 : index
    %get3A_130 = arith.constant 0 : index
    %get3A_131 = vector.load %arg10[%get3A_129, %get3A_130] : memref<256x12xf32, #tpu.memory_space<vmem>>, vector<256x12xf32>
    %dot_general3A_132 = arith.constant dense<0.000000e+00> : vector<256x256xf32>
    %dot_general3A_133 = tpu.matmul %concatenate3A, %get3A_131, %dot_general3A_132 {dimension_numbers = #tpu.dot_dimension_numbers<[1], [1], [0], [0], [0, 0, 1, 0], [], []>, transpose_lhs_hint = false} : vector<256x12xf32>, vector<256x12xf32>, vector<256x256xf32> -> vector<256x256xf32>
    %get3A_134 = arith.constant 0 : index
    %get3A_135 = vector.load %arg11[%get3A_134] : memref<256xf32, #tpu.memory_space<vmem>>, vector<256xf32>
    %broadcast_in_dim3A_136 = vector.shape_cast %get3A_135 : vector<256xf32> to vector<1x256xf32>
    %add3A_137 = vector.broadcast %broadcast_in_dim3A_136 : vector<1x256xf32> to vector<256x256xf32>
    %add3A_138 = arith.addf %dot_general3A_133, %add3A_137 : vector<256x256xf32>
    %max3A_139 = arith.constant 0.000000e+00 : f32
    %max3A_140 = vector.broadcast %max3A_139 : f32 to vector<256x256xf32>
    %max3A_141 = arith.maximumf %add3A_138, %max3A_140 : vector<256x256xf32>
    %get3A_142 = arith.constant 0 : index
    %get3A_143 = arith.constant 0 : index
    %get3A_144 = vector.load %arg12[%get3A_142, %get3A_143] : memref<256x256xf32, #tpu.memory_space<vmem>>, vector<256x256xf32>
    %dot_general3A_145 = arith.constant dense<0.000000e+00> : vector<256x256xf32>
    %dot_general3A_146 = tpu.matmul %max3A_141, %get3A_144, %dot_general3A_145 {dimension_numbers = #tpu.dot_dimension_numbers<[1], [1], [0], [0], [0, 0, 1, 0], [], []>, transpose_lhs_hint = false} : vector<256x256xf32>, vector<256x256xf32>, vector<256x256xf32> -> vector<256x256xf32>
    %get3A_147 = arith.constant 0 : index
    %get3A_148 = vector.load %arg13[%get3A_147] : memref<256xf32, #tpu.memory_space<vmem>>, vector<256xf32>
    %broadcast_in_dim3A_149 = vector.shape_cast %get3A_148 : vector<256xf32> to vector<1x256xf32>
    %add3A_150 = vector.broadcast %broadcast_in_dim3A_149 : vector<1x256xf32> to vector<256x256xf32>
    %add3A_151 = arith.addf %dot_general3A_146, %add3A_150 : vector<256x256xf32>
    %eq3A_152 = arith.cmpi eq, %select_n3A_93, %sub3A_97 : vector<1x256xi32>
    %convert_element_type3A_153 = arith.extui %eq3A_152 : vector<1x256xi1> to vector<1x256xi32>
    %convert_element_type3A_154 = arith.sitofp %convert_element_type3A_153 : vector<1x256xi32> to vector<1x256xf32>
    %mul3A_155 = arith.mulf %div3A_66, %convert_element_type3A_154 : vector<1x256xf32>
    %sub3A_156 = arith.constant 1.000000e+00 : f32
    %sub3A_157 = vector.broadcast %sub3A_156 : f32 to vector<1x256xf32>
    %sub3A_158 = arith.subf %sub3A_157, %convert_element_type3A_154 : vector<1x256xf32>
    %mul3A_159 = arith.mulf %div3A_66, %sub3A_158 : vector<1x256xf32>
    %dot_general3A_160 = arith.constant dense<0.000000e+00> : vector<1x256xf32>
    %dot_general3A_161 = tpu.matmul %mul3A_155, %add3A_128, %dot_general3A_160 {dimension_numbers = #tpu.dot_dimension_numbers<[1], [0], [0], [1], [0, 0, 1, 1], [], []>, transpose_lhs_hint = false} : vector<1x256xf32>, vector<256x256xf32>, vector<1x256xf32> -> vector<1x256xf32>
    %dot_general3A_162 = arith.constant dense<0.000000e+00> : vector<1x256xf32>
    %dot_general3A_163 = tpu.matmul %mul3A_159, %add3A_151, %dot_general3A_162 {dimension_numbers = #tpu.dot_dimension_numbers<[1], [0], [0], [1], [0, 0, 1, 1], [], []>, transpose_lhs_hint = false} : vector<1x256xf32>, vector<256x256xf32>, vector<1x256xf32> -> vector<1x256xf32>
    %add3A_164 = arith.addf %dot_general3A_161, %dot_general3A_163 : vector<1x256xf32>
    %get3A_165 = arith.constant 0 : index
    %get3A_166 = arith.constant 0 : index
    %get3A_167 = vector.load %arg14[%get3A_165, %get3A_166] : memref<256x256xf32, #tpu.memory_space<vmem>>, vector<256x256xf32>
    %dot_general3A_168 = arith.constant dense<0.000000e+00> : vector<1x256xf32>
    %dot_general3A_169 = tpu.matmul %add3A_164, %get3A_167, %dot_general3A_168 {dimension_numbers = #tpu.dot_dimension_numbers<[1], [1], [0], [0], [0, 0, 1, 0], [], []>, transpose_lhs_hint = false} : vector<1x256xf32>, vector<256x256xf32>, vector<1x256xf32> -> vector<1x256xf32>
    %get3A_170 = arith.constant 0 : index
    %get3A_171 = vector.load %arg15[%get3A_170] : memref<256xf32, #tpu.memory_space<vmem>>, vector<256xf32>
    %broadcast_in_dim3A_172 = vector.shape_cast %get3A_171 : vector<256xf32> to vector<1x256xf32>
    %add3A_173 = arith.addf %dot_general3A_169, %broadcast_in_dim3A_172 : vector<1x256xf32>
    %max3A_174 = arith.constant 0.000000e+00 : f32
    %max3A_175 = vector.broadcast %max3A_174 : f32 to vector<1x256xf32>
    %max3A_176 = arith.maximumf %add3A_173, %max3A_175 : vector<1x256xf32>
    %get3A_177 = arith.constant 0 : index
    %get3A_178 = arith.constant 0 : index
    %get3A_179 = vector.load %arg16[%get3A_177, %get3A_178] : memref<128x256xf32, #tpu.memory_space<vmem>>, vector<128x256xf32>
    %dot_general3A_180 = arith.constant dense<0.000000e+00> : vector<1x128xf32>
    %dot_general3A_181 = tpu.matmul %max3A_176, %get3A_179, %dot_general3A_180 {dimension_numbers = #tpu.dot_dimension_numbers<[1], [1], [0], [0], [0, 0, 1, 0], [], []>, transpose_lhs_hint = false} : vector<1x256xf32>, vector<128x256xf32>, vector<1x128xf32> -> vector<1x128xf32>
    %get3A_182 = arith.constant 0 : index
    %get3A_183 = vector.load %arg17[%get3A_182] : memref<128xf32, #tpu.memory_space<vmem>>, vector<128xf32>
    %broadcast_in_dim3A_184 = vector.shape_cast %get3A_183 : vector<128xf32> to vector<1x128xf32>
    %add3A_185 = arith.addf %dot_general3A_181, %broadcast_in_dim3A_184 : vector<1x128xf32>
    %swap3A = arith.constant 0 : index
    %swap3A_186 = arith.constant 0 : index
    %swap3A_187 = arith.constant 0 : index
    %swap3A_188 = vector.load %arg18[%swap3A, %swap3A_186, %swap3A_187] : memref<1x1x128xf32, #tpu.memory_space<vmem>>, vector<1x1x128xf32>
    %swap3A_189 = vector.shape_cast %swap3A_188 : vector<1x1x128xf32> to vector<1x128xf32>
    %swap3A_190 = vector.shape_cast %add3A_185 : vector<1x128xf32> to vector<1x1x128xf32>
    tpu.vector_store %arg18[%swap3A, %swap3A_186, %swap3A_187], %swap3A_190 {strides = array<i32>} : memref<1x1x128xf32, #tpu.memory_space<vmem>>, vector<1x1x128xf32>,
    return
  }
  func.func @transform_0(%arg0: i32) -> (i32, i32, i32) {
    %c0_i32 = arith.constant 0 : i32
    %c0_i32_0 = arith.constant 0 : i32
    %c0_i32_1 = arith.constant 0 : i32
    return %arg0, %c0_i32, %c0_i32_0 : i32, i32, i32
  }
  func.func @transform_1(%arg0: i32) -> (i32, i32, i32) {
    %c0_i32 = arith.constant 0 : i32
    %c0_i32_0 = arith.constant 0 : i32
    %c0_i32_1 = arith.constant 0 : i32
    return %arg0, %c0_i32, %c0_i32_0 : i32, i32, i32
  }
  func.func @transform_2(%arg0: i32) -> (i32, i32, i32) {
    %c0_i32 = arith.constant 0 : i32
    %c0_i32_0 = arith.constant 0 : i32
    %c0_i32_1 = arith.constant 0 : i32
    return %arg0, %c0_i32, %c0_i32_0 : i32, i32, i32
  }
  func.func @transform_3(%arg0: i32) -> (i32, i32, i32) {
    %c0_i32 = arith.constant 0 : i32
    %c0_i32_0 = arith.constant 0 : i32
    %c0_i32_1 = arith.constant 0 : i32
    return %arg0, %c0_i32, %c0_i32_0 : i32, i32, i32
  }
  func.func @transform_4(%arg0: i32) -> (i32, i32, i32) {
    %c0_i32 = arith.constant 0 : i32
    %c0_i32_0 = arith.constant 0 : i32
    %c0_i32_1 = arith.constant 0 : i32
    return %arg0, %c0_i32, %c0_i32_0 : i32, i32, i32
  }
  func.func @transform_5(%arg0: i32) -> (i32, i32) {
    %c0_i32 = arith.constant 0 : i32
    %c0_i32_0 = arith.constant 0 : i32
    %c0_i32_1 = arith.constant 0 : i32
    return %c0_i32, %c0_i32_0 : i32, i32
  }
  func.func @transform_6(%arg0: i32) -> i32 {
    %c0_i32 = arith.constant 0 : i32
    %c0_i32_0 = arith.constant 0 : i32
    return %c0_i32 : i32
  }
  func.func @transform_7(%arg0: i32) -> (i32, i32) {
    %c0_i32 = arith.constant 0 : i32
    %c0_i32_0 = arith.constant 0 : i32
    %c0_i32_1 = arith.constant 0 : i32
    return %c0_i32, %c0_i32_0 : i32, i32
  }
  func.func @transform_8(%arg0: i32) -> i32 {
    %c0_i32 = arith.constant 0 : i32
    %c0_i32_0 = arith.constant 0 : i32
    return %c0_i32 : i32
  }
  func.func @transform_9(%arg0: i32) -> (i32, i32) {
    %c0_i32 = arith.constant 0 : i32
    %c0_i32_0 = arith.constant 0 : i32
    %c0_i32_1 = arith.constant 0 : i32
    return %c0_i32, %c0_i32_0 : i32, i32
  }
  func.func @transform_10(%arg0: i32) -> i32 {
    %c0_i32 = arith.constant 0 : i32
    %c0_i32_0 = arith.constant 0 : i32
    return %c0_i32 : i32
  }
  func.func @transform_11(%arg0: i32) -> (i32, i32) {
    %c0_i32 = arith.constant 0 : i32
    %c0_i32_0 = arith.constant 0 : i32
    %c0_i32_1 = arith.constant 0 : i32
    return %c0_i32, %c0_i32_0 : i32, i32
  }
  func.func @transform_12(%arg0: i32) -> i32 {
    %c0_i32 = arith.constant 0 : i32
    %c0_i32_0 = arith.constant 0 : i32
    return %c0_i32 : i32
  }
  func.func @transform_13(%arg0: i32) -> (i32, i32) {
    %c0_i32 = arith.constant 0 : i32
    %c0_i32_0 = arith.constant 0 : i32
    %c0_i32_1 = arith.constant 0 : i32
    return %c0_i32, %c0_i32_0 : i32, i32
  }
  func.func @transform_14(%arg0: i32) -> i32 {
    %c0_i32 = arith.constant 0 : i32
    %c0_i32_0 = arith.constant 0 : i32
    return %c0_i32 : i32
  }
  func.func @transform_15(%arg0: i32) -> (i32, i32) {
    %c0_i32 = arith.constant 0 : i32
    %c0_i32_0 = arith.constant 0 : i32
    %c0_i32_1 = arith.constant 0 : i32
    return %c0_i32, %c0_i32_0 : i32, i32
  }
  func.func @transform_16(%arg0: i32) -> i32 {
    %c0_i32 = arith.constant 0 : i32
    %c0_i32_0 = arith.constant 0 : i32
    return %c0_i32 : i32
  }
  func.func @transform_17(%arg0: i32) -> (i32, i32, i32) {
    %c0_i32 = arith.constant 0 : i32
    %c0_i32_0 = arith.constant 0 : i32
    %c0_i32_1 = arith.constant 0 : i32
    return %arg0, %c0_i32, %c0_i32_0 : i32, i32, i32
  }
}

</mosaic_0001>

<sc_bundles>
// kernel: kernel.5.cloned.1.call-start
scs
__scs_entry_jumppad:
0x0: {  	(pc) =	sbr.rel $0x88, $3  }
0x1: {  	(tag) =	ssettag $0x0;
	lr =	simm.s32 $0x1  }
0x2: {  	[smem:$0x3F90] =	sst lr;
	_ =	strace $0xD0000000  }
0x3: {  	_ = 	snop  }
0x4: {  	_ = 	snop  }
0x5: {  	_ = 	snop  }
0x6: {  	_ = 	snop  }
0x7: {  	_ = 	snop  }
__scs_overlays_trampoline_lowered:
0x8: {  	[smem:$0x3F9F] =	sst s0  }
0x9: {  	[smem:$0x3FA0] =	sst s1  }
0xa: {  	[smem:$0x3FA1] =	sst s2  }
0xb: {  	[smem:$0x3FA2] =	sst s3  }
0xc: {  	[smem:$0x3FA3] =	sst s4  }
0xd: {  	[smem:$0x3FA4] =	sst s5  }
0xe: {  	[smem:$0x3FA5] =	sst s6  }
0xf: {  	[smem:$0x3FA6] =	sst s7  }
0x10: {  	[smem:$0x3FA7] =	sst s8  }
0x11: {  	[smem:$0x3FA8] =	sst s9;
	s0 =	simm.s32 @!p0 $0x0  }
0x12: {  	s1 =	sld [smem:$0x3F8E];
	s0 =	simm.s32 @p0 $0x1  }
0x13: {  	[smem:$0x3FA9] =	sst s0;
	s0 =	simm.s32 @!p1 $0x0  }
0x14: {  	s2 =	sld [smem:$0x3F8D];
	s0 =	simm.s32 @p1 $0x1  }
0x15: {  	[smem:$0x3FAA] =	sst s0;
	s0 =	simm.s32 @!p2 $0x0  }
0x16: {  	s3 =	sld [smem:$0x3FDB];
	s0 =	simm.s32 @p2 $0x1  }
0x17: {  	s4 =	simm.s32 $0x1BF5;
	[smem:$0x3FAC] =	sst s0  }
0x18: {  	s0 =	sld [smem:$0x3F8F];
	_ =	swait.ge [sflag:s4], $0x0  }
0x19: {  	s7 =	sld [smem:$0x3F90]  }
0x1a: {  	s8 =	sadd.s32 $0xFFFFE003, lr  }
0x1b: {  	s9 =	sadd.s32 $0xFFFFFEF7, lr;
	s5 =	simm.s32 $0xFFFFFFFF;
	p2 =	slt.u32 s8, $0xFFFFF086  }
0x1c: {  	p1 =	slt.u32 s9, $0xF7A;
	s5 =	simm.s32 @!p2 $0x0  }
0x1d: {  	s5 =	simm.s32 @p1 $0x1;
	p0 =	seq.s32 s7, s2  }
0x1e: {  	s7 =	smul.u32 @!p0 $0xF7A, s2;
	p2 =	seq.s32 @!p0 s5, $0x0  }
0x1f: {  	s9 =	smul.u32 $0xF7A, s1;
	s8 =	simm.s32 @!p0 $0x1BF5;
	p2 =	por !p2, p0  }
0x20: {  	[sflag:s8] =	ssyncset.s32 @!p0 $0xFFFFF086;
	s6 =	sadd.s32 @!p0 s3, s7;
	s7 =	simm.s32 @!p0 $0x108  }
0x21: {  	s3 =	sadd.s32 s3, s9;
	s6 =	sadd.s32 @!p0 $0x88, s6;
	s7 =	simm.s32 @p2 $0x1082  }
0x22: {  	[simem:s7], [sflag:s8] =	dma.local @!p0 [hbm:s6], $0xF7A  }
0x23: {  	s9 =	sor.u32 $0xD0000000, s2;
	s6 =	simm.s32 $0x108;
	_ =	swait.ge @!p0 [sflag:s8], $0x0  }
0x24: {  	s3 =	sadd.s32 $0x88, s3;
	s6 =	simm.s32 @!p1 $0x1082;
	[sflag:s4] =	ssyncset.s32 $0xFFFFF086  }
0x25: {  	[simem:s6], [sflag:s4] =	dma.local [hbm:s3], $0xF7A  }
0x26: {  	[smem:$0x3F90] =	sst s1;
	(tag) =	ssettag s2;
	_ =	strace s9  }
0x27: {  	s1 =	sld [smem:$0x3FA0]  }
0x28: {  	s2 =	sld [smem:$0x3FA1]  }
0x29: {  	s4 =	sld [smem:$0x3FA3]  }
0x2a: {  	p0 =	seq.s32 s5, $0x0;
	s5 =	sld [smem:$0x3FA4]  }
0x2b: {  	s6 =	sld [smem:$0x3FA5]  }
0x2c: {  	s7 =	sld [smem:$0x3FA6]  }
0x2d: {  	s3 =	simm.s32 $0x108;
	s8 =	sld [smem:$0x3FA7]  }
0x2e: {  	s3 =	simm.s32 @!p0 $0x1082;
	s9 =	sld [smem:$0x3FA8]  }
0x2f: {  	lr =	sadd.s32 s0, s3;
	s0 =	sld [smem:$0x3F9F]  }
0x30: {  	s3 =	sld [smem:$0x3FA2]  }
0x31: {  	[smem:$0x3FAB] =	sst s10  }
0x32: {  	s10 =	sld [smem:$0x3FA9];
	_ =	sdelay $0x3  }
0x33: {  	p0 =	seq.s32 s10, $0x1;
	s10 =	sld [smem:$0x3FAB];
	_ =	sdelay $0x3  }
0x34: {  	[smem:$0x3FAB] =	sst s10  }
0x35: {  	s10 =	sld [smem:$0x3FAA];
	_ =	sdelay $0x3  }
0x36: {  	p1 =	seq.s32 s10, $0x1;
	s10 =	sld [smem:$0x3FAB];
	_ =	sdelay $0x3  }
0x37: {  	[smem:$0x3FAB] =	sst s10  }
0x38: {  	s10 =	sld [smem:$0x3FAC]  }
0x39: {  	_ = 	snop;
	(pc) =	sbr.ind lr, $3  }
0x3a: {  	_ = 	snop  }
0x3b: {  	_ = 	snop  }
0x3c: {  	p2 =	seq.s32 s10, $0x1;
	s10 =	sld [smem:$0x3FAB]  }
0x3d: {  	_ =	shalt  }
0x3e: {  	_ =	shalt  }
0x3f: {  	_ =	shalt  }
0x40: {  	_ =	shalt  }
0x41: {  	_ =	shalt  }
0x42: {  	_ =	shalt  }
0x43: {  	_ =	shalt  }
0x44: {  	_ =	shalt  }
0x45: {  	_ =	shalt  }
0x46: {  	_ =	shalt  }
0x47: {  	_ =	shalt  }
0x48: {  	_ =	shalt  }
0x49: {  	_ =	shalt  }
0x4a: {  	_ =	shalt  }
0x4b: {  	_ =	shalt  }
0x4c: {  	_ =	shalt  }
0x4d: {  	_ =	shalt  }
0x4e: {  	_ =	shalt  }
0x4f: {  	_ =	shalt  }
0x50: {  	_ =	shalt  }
0x51: {  	_ =	shalt  }
0x52: {  	_ =	shalt  }
0x53: {  	_ =	shalt  }
0x54: {  	_ =	shalt  }
0x55: {  	_ =	shalt  }
0x56: {  	_ =	shalt  }
0x57: {  	_ =	shalt  }
0x58: {  	_ =	shalt  }
0x59: {  	_ =	shalt  }
0x5a: {  	_ =	shalt  }
0x5b: {  	_ =	shalt  }
0x5c: {  	_ =	shalt  }
0x5d: {  	_ =	shalt  }
0x5e: {  	_ =	shalt  }
0x5f: {  	_ =	shalt  }
0x60: {  	_ =	shalt  }
0x61: {  	_ =	shalt  }
0x62: {  	_ =	shalt  }
0x63: {  	_ =	shalt  }
0x64: {  	_ =	shalt  }
0x65: {  	_ =	shalt  }
0x66: {  	_ =	shalt  }
0x67: {  	_ =	shalt  }
0x68: {  	_ =	shalt  }
0x69: {  	_ =	shalt  }
0x6a: {  	_ =	shalt  }
0x6b: {  	_ =	shalt  }
0x6c: {  	_ =	shalt  }
0x6d: {  	_ =	shalt  }
0x6e: {  	_ =	shalt  }
0x6f: {  	_ =	shalt  }
0x70: {  	_ =	shalt  }
0x71: {  	_ =	shalt  }
0x72: {  	_ =	shalt  }
0x73: {  	_ =	shalt  }
0x74: {  	_ =	shalt  }
0x75: {  	_ =	shalt  }
0x76: {  	_ =	shalt  }
0x77: {  	_ =	shalt  }
0x78: {  	_ =	shalt  }
0x79: {  	_ =	shalt  }
0x7a: {  	_ =	shalt  }
0x7b: {  	_ =	shalt  }
0x7c: {  	_ =	shalt  }
0x7d: {  	_ =	shalt  }
0x7e: {  	_ =	shalt  }
0x7f: {  	_ =	shalt  }
0x80: {  	_ =	shalt  }
0x81: {  	_ =	shalt  }
0x82: {  	_ =	shalt  }
0x83: {  	_ =	shalt  }
0x84: {  	_ =	shalt  }
0x85: {  	_ =	shalt  }
0x86: {  	_ =	shalt  }
0x87: {  	_ =	shalt  }
.Lfunc_end0:
.L_simem_size_0:
called_computation_lowered:
.L_overlay_start_0:
0x88: {  	s2 =	sld [smem:$0x3FD9]  }
0x89: {  	s3 =	sld [smem:$0x3FFE];
	_ =	sdelay $0x1  }
0x8a: {  	s1 =	srdreg.scid  }
0x8b: {  	s0 =	sand.u32 $0x1, s1  }
0x8c: {  	s17 =	sshll.u32 s0, $0xA;
	s2 =	sadd.s32 s3, s2  }
0x8d: {  	s2 =	sadd.s32 s2, s17  }
0x8e: {  	[smem:$0x3FB7] =	sst s2  }
0x8f: {  	_ = 	snop  }
0x90: {  	s2 =	sld [smem:$0x3FD0];
	(tm) =	ssettm $0x1  }
0x91: {  	s18 =	sld [smem:$0x3FFB];
	_ =	sdelay $0x3  }
0x92: {  	_ =	strace s18  }
0x93: {  	s3 =	sld [smem:$0x3FFC];
	_ =	sdelay $0x3  }
0x94: {  	_ =	strace s3  }
0x95: {  	s3 =	sld [smem:$0x3FFD];
	_ =	sdelay $0x3  }
0x96: {  	_ =	strace s3  }
0x97: {  	_ =	strace $0x8FFFFFFF  }
0x98: {  	s19 =	sld [smem:$0x3FDB];
	_ =	sdelay $0x1  }
0x99: {  	s4 =	simm.s32 $_scs_section_size  }
0x9a: {  	s5 =	simm.s32 $_size__tile_overlayer_lowered;
	s6 =	simm.s32 $_tile_overlayer_lowered  }
0x9b: {  	s22 =	simm.s32 $0x1BFF;
	s21 =	sshll.u32 s6, $0x1;
	s3 =	sadd.s32 s4, s19  }
0x9c: {  	s7 =	simm.s32 $0x0;
	s20 =	sshll.u32 s5, $0x1;
	s5 =	sadd.s32 s21, s3  }
0x9d: {  	[timem:s7], [sflag:s22] =	dma.local [hbm:s5], s20  }
0x9e: {  	_ =	swait.ge [sflag:s22], s20  }
0x9f: {  	s4 =	ssub.s32 $0x0, s20;
	[sflag:s22] =	ssyncset.done $0x0  }
0xa0: {  	[sflag:s22] =	ssyncadd.s32 s4;
	_ =	sdelay $0x1  }
0xa1: {  	s23 =	simm.s32 $0x1B8B  }
0xa2: {  	_ =	swait.ge [sflag:s23], $0x1  }
0xa3: {  	[sflag:s23] =	ssyncset.done $0x0  }
0xa4: {  	s25 =	simm.s32 $0x1B8E;
	s24 =	sld [smem:$0x3FFE];
	[sflag:s23] =	ssyncadd.s32 $0xFFFFFFFF  }
0xa5: {  	s26 =	simm.s32 $execute0_lowered;
	[smem:$0x3FD2] =	sst s25  }
0xa6: {  	s5 =	sshll.u32 s26, $0x1;
	_ =	strace $0x80000046;
	[dreg:$0x1] =	wrdreg $0xFFFFFFFF  }
0xa7: {  	s28 =	simm.s32 $_size_execute0_lowered;
	s3 =	sadd.s32 s3, s5;
	[dreg:$0x0] =	wrdreg $0x0  }
0xa8: {  	s5 =	sshll.u32 s28, $0x1;
	[dreg:$0x2] =	wrdreg s3  }
0xa9: {  	[dreg:$0x3] =	wrdreg s5  }
0xaa: {  	[dreg:$0x4] =	wrdreg $0xC0  }
0xab: {  	_ =	task [dreg:s7], $0x5FFFF  }
0xac: {  	[dreg:$0x1] =	wrdreg $0xFFFFFFFF  }
0xad: {  	[dreg:$0x0] =	wrdreg $0x60  }
0xae: {  	[dreg:$0x2] =	wrdreg s24  }
0xaf: {  	[dreg:$0x3] =	wrdreg s2  }
0xb0: {  	[dreg:$0x4] =	wrdreg $0x9  }
0xb1: {  	_ =	task.clear_ibuf [dreg:s7], $0x5FFFF;
	_ =	strace $0x90000046  }
0xb2: {  	s29 =	simm.s32 $0x9;
	_ =	strace $0x80000048  }
0xb3: {  	_ =	swait.ge [sflag:s29], $0x1  }
0xb4: {  	[sflag:s29] =	ssyncadd.s32 $0xFFFFFFFF  }
0xb5: {  	_ =	strace $0x90000048  }
0xb6: {  	_ =	sfence  }
0xb7: {  	s30 =	sld [smem:$0x0];
	_ =	sdelay $0x2  }
0xb8: {  	s31 =	sshll.u32 s1, $0xD;
	s1 =	sshrl.u32 s1, $0x2  }
0xb9: {  	s3 =	sand.u32 $0x4000, s31;
	s1 =	sadd.s32 s1, s30  }
0xba: {  	s0 =	sor.u32 s3, s0;
	s1 =	sshll.u32 s1, $0x11  }
0xbb: {  	s0 =	sor.u32 s1, s0  }
0xbc: {  	s0 =	sadd.s32 $0x8F2B, s0  }
0xbd: {  	[sflag:s0] =	ssyncadd.remote.s32 $0x1  }
0xbe: {  	_ =	sfence.sel $0xFFFF  }
0xbf: {  	[dreg:$0x0] =	wrdreg $0xFFFFFFFF;
	(pc) =	sbr.abs _section_cstart, $3  }
0xc0: {  	[dreg:$0x1] =	wrdreg $0xFFFFFFFF  }
0xc1: {  	_ =	task.clear_ibuf [dreg:s7], $0x2FFFF;
	_ =	strace $0x9FFFFFFF  }
0xc2: {  	(tm) =	ssettm $0x7FFFFFFF  }
0xc3: {  	_ =	shalt  }
tec
execute0_lowered:
.L_overlay_start_1:
0x0: {  	(tag) =	ssettag $0x1  }
0x1: {  	s0 =	srdreg.scid;
	s1 =	rddreg [dreg:$0x0]  }
0x2: {  	s9 =	stileid.u32;
	s7 =	rddreg [dreg:$0x1];
	s2 =	simm.s32 $0x0  }
0x3: {  	s15 =	simm.s32 $0x2;
	s16 =	simm.s32 $0x2A00;
	s17 =	simm.s32 $0x800  }
0x4: {  	s18 =	simm.s32 $0x880;
	s19 =	simm.s32 $0x40;
	s28 =	simm.s32 $0x4B80  }
0x5: {  	s29 =	simm.s32 $0x0;
	s0 =	sand.u32 $0x1, s0;
	s4 =	sshrl.u32 s9, $0x2  }
0x6: {  	[smem:$0x7FF] =	sst s2;
	s5 =	sand.u32 $0x3, s9;
	s21 =	sshll.u32 s9, $0x9  }
0x7: {  	s9 =	sshll.u32 s9, $0x6;
	s3 =	sshll.u32 s0, $0x2;
	s20 =	sshll.u32 s5, $0xE  }
0x8: {  	_ =	strace $0x80000047;
	s11 =	sshll.u32 s5, $0xA;
	s0 =	ssub.s32 $0x2, s0  }
0x9: {  	s5 =	sshll.u32 s5, $0xB;
	s8 =	sor.u32 s4, s3;
	s4 =	sor.u32 s9, s21  }
0xa: {  	s3 =	sadd.s32 $0x122E00, s1;
	s25 =	sshrl.u32 s0, $0x1;
	s6 =	sshll.u32 s8, $0x7  }
0xb: {  	s23 =	sand.u32 $0x440, s4;
	s4 =	sadd.s32 $0x102E00, s1;
	s24 =	sshll.u32 s8, $0xC  }
0xc: {  	s0 =	ssub.s32 s0, s25;
	s26 =	sshll.u32 s8, $0x4;
	s21 =	sshll.u32 s8, $0xA  }
0xd: {  	s25 =	simm.s32 $0x2B80;
	s10 =	sor.u32 s20, s6;
	s6 =	sor.u32 s6, s23  }
0xe: {  	s7 =	sadd.s32 s7, s26;
	s20 =	sshll.u32 s8, $0xD;
	v2 =	vmov s21;
	s21 =	simm.s32 $0x1  }
0xf: {  	s26 =	simm.s32 $0x2B00;
	s22 =	sshrl.u32 s10, $0x3;
	s6 =	sshrl.u32 s6, $0x3  }
0x10: {  	v0 =	vlaneseq.u32;
	s10 =	sor.u32 s11, s24;
	s30 =	sor.u32 $0x10, s20;
	s31 =	sor.u32 $0x20, s20  }
.Ltmp0:
0x11: {  	s23 =	sor.u32 $0x30, s20;
	v1 =	vmov s20;
	v3 =	vor.u32 s20, v0;
	s20 =	simm.s32 $0x900;
	(pc) =	sbr.rel .LBB2_1-.Ltmp0, $4  }
0x12: {  	s24 =	simm.s32 $0x2A80;
	s9 =	sadd.s32 s22, s1;
	s12 =	sadd.s32 s6, s1  }
0x13: {  	s1 =	sadd.s32 s10, s1;
	s22 =	simm.s32 $0x2900;
	v6 =	vor.u32 s23, v0;
	s23 =	simm.s32 $0x2980  }
0x14: {  	v7 =	vimm.f32 $-1.000000020e+30;
	v8 =	vimm.s32 $0x0;
	s6 =	sadd.s32 $0x2E00, s9;
	s8 =	sadd.s32 $0x4E00, s12;
	s9 =	sadd.s32 $0x5000, s12  }
0x15: {  	v9 =	vmul.u32 $0x8, v0;
	v4 =	vor.u32 s30, v0;
	v5 =	vor.u32 s31, v0;
	s10 =	sadd.s32 $0x5200, s1;
	s11 =	sadd.s32 $0xD200, s1;
	s12 =	smax.u32 s0, $0x1  }
.LBB2_6:
0x16: {  	v10 =	vld [tilespmem:$0x2980];
	_ =	sdelay $0x4  }
0x17: {  	v11 =	vshra.s32 v10, $0x7;
	_ =	sdelay $0x3  }
0x18: {  	v12 =	vld [tilespmem:$0x2990]  }
0x19: {  	v11 =	vld.idx.msk [tilespmem:v11+s18+$0x0], $0xffff;
	_ =	sdelay $0x2  }
0x1a: {  	v10 =	vshll.u32 v10, $0xA  }
0x1b: {  	v10 =	vand.u32 $0x1FC00, v10  }
0x1c: {  	v13 =	vshra.s32 v12, $0x7;
	v10 =	vadd.s32 v11, v10  }
0x1d: {  	v14 =	vshra.s32 v10, $0xA  }
0x1e: {  	v11 =	vand.u32 $0x3FF, v11;
	[tilespmem:$0x2980] =	vst v10;
	v10 =	vadd.s32 v2, v14  }
0x1f: {  	[tilespmem:$0x2A80] =	vst v10;
	v10 =	vor.u32 v2, v11  }
0x20: {  	v11 =	vld [tilespmem:$0x29A0];
	[tilespmem:$0x2B00] =	vst v10  }
0x21: {  	v10 =	vld.idx.msk [tilespmem:v13+s18+$0x0], $0xffff;
	_ =	sdelay $0x2  }
0x22: {  	v12 =	vshll.u32 v12, $0xA  }
0x23: {  	v12 =	vand.u32 $0x1FC00, v12;
	v57 =	vshra.s32 v11, $0x7  }
0x24: {  	v12 =	vadd.s32 v10, v12;
	v10 =	vand.u32 $0x3FF, v10  }
0x25: {  	v58 =	vshra.s32 v12, $0xA;
	[tilespmem:$0x2990] =	vst v12;
	v10 =	vor.u32 v2, v10  }
0x26: {  	v59 =	vadd.s32 v2, v58;
	[tilespmem:$0x2B10] =	vst v10  }
0x27: {  	v60 =	vld [tilespmem:$0x29B0];
	[tilespmem:$0x2A90] =	vst v59  }
0x28: {  	v10 =	vld.idx.msk [tilespmem:v57+s18+$0x0], $0xffff;
	_ =	sdelay $0x2  }
0x29: {  	v11 =	vshll.u32 v11, $0xA  }
0x2a: {  	v61 =	vshra.s32 v60, $0x7;
	v11 =	vand.u32 $0x1FC00, v11  }
0x2b: {  	v11 =	vadd.s32 v10, v11;
	v10 =	vand.u32 $0x3FF, v10  }
0x2c: {  	v62 =	vshra.s32 v11, $0xA;
	[tilespmem:$0x29A0] =	vst v11;
	v10 =	vor.u32 v2, v10  }
0x2d: {  	v11 =	vadd.s32 v2, v62;
	[tilespmem:$0x2B20] =	vst v10  }
0x2e: {  	[tilespmem:$0x2AA0] =	vst v11  }
0x2f: {  	v10 =	vld.idx.msk [tilespmem:v61+s18+$0x0], $0xffff;
	_ =	sdelay $0x2  }
0x30: {  	v11 =	vshll.u32 v60, $0xA  }
0x31: {  	v11 =	vand.u32 $0x1FC00, v11  }
0x32: {  	v11 =	vadd.s32 v10, v11;
	v10 =	vand.u32 $0x3FF, v10  }
0x33: {  	v63 =	vshra.s32 v11, $0xA;
	[tilespmem:$0x29B0] =	vst v11;
	v10 =	vor.u32 v2, v10  }
0x34: {  	v11 =	vadd.s32 v2, v63;
	[tilespmem:$0x2B30] =	vst v10  }
0x35: {  	[tilespmem:$0x2AB0] =	vst v11  }
0x36: {  	[tilespmem:s25], [sflag:$0x1] =	stream.indirect.gather [hbm4b:s4+s19], $0x80, s24, s19, $0xb8;
	[tilespmem:$0x6B80] =	vst v63  }
0x37: {  	_ =	swait.ge [sflag:s21], $0x2000  }
0x38: {  	[sflag:s21] =	ssyncset.done $0x0  }
0x39: {  	[sflag:s21] =	ssyncadd.s32 $0xFFFFE000  }
0x3a: {  	[tilespmem:s28], [sflag:$0x1] =	stream.indirect.gather [hbm4b:s4+s19], $0x80, s26, s19, $0xb8;
	[tilespmem:$0x6B80] =	vst v63  }
0x3b: {  	_ =	swait.ge [sflag:s21], $0x2000  }
0x3c: {  	[sflag:s21] =	ssyncset.done $0x0  }
0x3d: {  	[sflag:s21] =	ssyncadd.s32 $0xFFFFE000  }
0x3e: {  	[hbm4b:s8+s2] =	stream.linear.scatter [tilespmem:s22], [sflag:$0x2], $0x40, $0x38;
	[tilespmem:$0x6B80] =	vst v63  }
0x3f: {  	_ =	swait.ge [sflag:s15], $0x40  }
0x40: {  	[sflag:s15] =	ssyncset.done $0x0  }
0x41: {  	[sflag:s15] =	ssyncadd.s32 $0xFFFFFFC0  }
0x42: {  	[hbm4b:s9+s2] =	stream.linear.scatter [tilespmem:s23], [sflag:$0x2], $0x40, $0x38;
	[tilespmem:$0x6B80] =	vst v63  }
0x43: {  	_ =	swait.ge [sflag:s15], $0x40  }
0x44: {  	[sflag:s15] =	ssyncset.done $0x0  }
0x45: {  	[sflag:s15] =	ssyncadd.s32 $0xFFFFFFC0  }
0x46: {  	[hbm4b:s10+s2] =	stream.linear.scatter [tilespmem:s25], [sflag:$0x2], $0x2000, $0x38;
	[tilespmem:$0x6B80] =	vst v63  }
0x47: {  	s29 =	sadd.s32 $0x1, s29;
	_ =	swait.ge [sflag:s15], $0x2000  }
0x48: {  	p0 =	seq.s32 s29, s12;
	[sflag:s15] =	ssyncset.done $0x0  }
.Ltmp1:
0x49: {  	[sflag:s15] =	ssyncadd.s32 $0xFFFFE000;
	(pc) =	sbr.rel @p0 .LBB2_7-.Ltmp1, $4  }
0x4a: {  	[hbm4b:s11+s2] =	stream.linear.scatter [tilespmem:s28], [sflag:$0x2], $0x2000, $0x38;
	[tilespmem:$0x6B80] =	vst v63  }
0x4b: {  	_ =	swait.ge [sflag:s15], $0x2000  }
0x4c: {  	[sflag:s15] =	ssyncset.done $0x0  }
0x4d: {  	[sflag:s15] =	ssyncadd.s32 $0xFFFFE000  }
.LBB2_1:
0x4e: {  	s0 =	simm.s32 $0x80;
	s1 =	simm.s32 $0x400  }
0x4f: {  	[tilespmem:s2], [sflag:$0x2] =	stream.strided.gather [hbm4b:s6+s0], $0x800, s1, s0, $0x38;
	[tilespmem:$0x6B80] =	vst v63  }
0x50: {  	_ =	swait.ge [sflag:s15], $0x800  }
0x51: {  	[sflag:s15] =	ssyncset.done $0x0  }
0x52: {  	[sflag:s15] =	ssyncadd.s32 $0xFFFFF800  }
0x53: {  	[tilespmem:s16], [sflag:$0x2] =	stream.linear.gather [hbm4b:s7+s2], $0x80, $0x38;
	[tilespmem:$0x6B80] =	vst v63  }
0x54: {  	_ =	swait.ge [sflag:s15], $0x80  }
0x55: {  	[sflag:s15] =	ssyncset.done $0x0  }
0x56: {  	[sflag:s15] =	ssyncadd.s32 $0xFFFFFF80  }
0x57: {  	v10 =	vld.msk [tilespmem:$0x2A00 ss:$0x0], $0xffff;
	[tilespmem:$0x800] =	vst v3  }
0x58: {  	[tilespmem:$0x2900] =	vst v7  }
0x59: {  	[tilespmem:$0x2980] =	vst v8  }
0x5a: {  	[tilespmem:$0x880] =	vst v8  }
0x5b: {  	[tilespmem:$0x810] =	vst v4  }
0x5c: {  	[tilespmem:$0x2910] =	vst v7  }
0x5d: {  	[tilespmem:$0x2990] =	vst v8  }
0x5e: {  	[tilespmem:$0x890] =	vst v8  }
0x5f: {  	[tilespmem:$0x820] =	vst v5  }
0x60: {  	[tilespmem:$0x2920] =	vst v7  }
0x61: {  	[tilespmem:$0x29A0] =	vst v8  }
0x62: {  	[tilespmem:$0x8A0] =	vst v8  }
0x63: {  	[tilespmem:$0x830] =	vst v6  }
0x64: {  	[tilespmem:$0x2930] =	vst v7  }
0x65: {  	[tilespmem:$0x29B0] =	vst v8  }
0x66: {  	s14 =	simm.s32 $0x0;
	[tilespmem:$0x8B0] =	vst v8  }
0x67: {  	v11 =	vld [tilespmem:s14+$0x0];
	_ =	sdelay $0x4  }
0x68: {  	vm0 =	vge.f32 v11, v10  }
0x69: {  	v11 =	vsel vm0, $0x1, v8  }
0x6a: {  	(xrf0) =	vadd.scan.msk.s32 $0xffff, v11;
	_ =	sdelay $0x2  }
0x6b: {  	v11 =	vmov s2  }
0x6c: {  	v11 =	vadd.s32 $0xFFFFFFFF, v11  }
0x6d: {  	v11 =	vbroadcast v11, $0x0  }
0x6e: {  	v12, _, _ =	vpop (xrf0)  }
0x6f: {  	v11 =	vadd.s32 v12, v11;
	(v2sf) =	vpush v12, $0xF  }
0x70: {  	v13 =	vmov s5;
	vm1 =	vlt.s32 v11, $0x3F  }
0x71: {  	v14 =	vshll.u32 v13, $0x3;
	v11 =	vnsel vm1, $0x3F, v11  }
0x72: {  	v14 =	vor.u32 v9, v14  }
0x73: {  	v15 =	vshrl.u32 v13, $0xA;
	v14 =	vand.u32 $0x1FF8, v14  }
0x74: {  	v13 =	vshll.u32 v13, $0x7;
	v14 =	vor.u32 v15, v14  }
0x75: {  	v13 =	vand.u32 $0xE0000, v13;
	v15 =	vor.u32 v1, v14;
	v14 =	vshrl.u32 v14, $0x3  }
0x76: {  	s31 =	simm.s32 $0x80;
	v13 =	vadd.s32 v13, v14;
	[tilespmem:v11+s17+$0x0] =	vst.idx.msk vm0, v15  }
0x77: {  	s30 =	simm.s32 $0x0;
	s0 =	simm.s32 $0x10;
	s1 =	smov.u32 s5;
	[tilespmem:v11+s18+$0x0] =	vst.idx.msk vm0, v13  }
.LBB2_2:
0x78: {  	p0 =	sne.s32 s31, $0x1FC0;
	v11 =	vld [tilespmem:s0+$0x0];
	_ =	sdelay $0x4  }
0x79: {  	vm0 =	vge.f32 v11, v10  }
0x7a: {  	v11 =	vsel vm0, $0x1, v8;
	s0 =	spop (v2sf)  }
0x7b: {  	(xrf0) =	vadd.scan.msk.s32 $0xffff, v11;
	s30 =	sadd.s32 s30, s0  }
0x7c: {  	v11 =	vmov s30  }
0x7d: {  	v11 =	vadd.s32 $0xFFFFFFFF, v11  }
0x7e: {  	v11 =	vbroadcast v11, $0x0;
	_ =	sdelay $0x2  }
0x7f: {  	v12, _, _ =	vpop (xrf0)  }
0x80: {  	s1 =	sadd.s32 $0x10, s1;
	v11 =	vadd.s32 v12, v11;
	(v2sf) =	vpush v12, $0xF  }
0x81: {  	v12 =	vmov s1;
	vm1 =	vlt.s32 v11, $0x3F  }
0x82: {  	v13 =	vshll.u32 v12, $0x3;
	v11 =	vnsel vm1, $0x3F, v11  }
0x83: {  	v13 =	vor.u32 v9, v13  }
.Ltmp2:
0x84: {  	v14 =	vshrl.u32 v12, $0xA;
	v13 =	vand.u32 $0x1FF8, v13;
	(pc) =	sbr.rel @p0 .LBB2_2-.Ltmp2, $4  }
0x85: {  	v12 =	vshll.u32 v12, $0x7;
	v13 =	vor.u32 v14, v13  }
0x86: {  	v12 =	vand.u32 $0xE0000, v12;
	v14 =	vor.u32 v1, v13;
	v13 =	vshrl.u32 v13, $0x3  }
0x87: {  	v12 =	vadd.s32 v12, v13;
	[tilespmem:v11+s17+$0x0] =	vst.idx.msk vm0, v14  }
0x88: {  	s0 =	sshra.s32 s31, $0x2;
	s31 =	sadd.s32 $0x40, s31;
	[tilespmem:v11+s18+$0x0] =	vst.idx.msk vm0, v12  }
0x89: {  	v11 =	vld [tilespmem:s0+$0x0];
	_ =	sdelay $0x4  }
0x8a: {  	vm0 =	vge.f32 v11, v10  }
0x8b: {  	v11 =	vsel vm0, $0x1, v8  }
0x8c: {  	(xrf0) =	vadd.scan.msk.s32 $0xffff, v11;
	_ =	sdelay $0x5  }
0x8d: {  	v11, _, _ =	vpop (xrf0)  }
0x8e: {  	(v2sf) =	vpush v11, $0xF;
	_ =	sdelay $0x3  }
0x8f: {  	s14 =	spop (v2sf)  }
0x90: {  	s0 =	sadd.s32 s30, s14  }
0x91: {  	v12 =	vmov s0  }
0x92: {  	v12 =	vadd.s32 $0xFFFFFFFF, v12  }
0x93: {  	v12 =	vbroadcast v12, $0x0;
	_ =	sdelay $0x1  }
0x94: {  	s1 =	sadd.s32 $0x10, s1;
	v11 =	vadd.s32 v11, v12  }
0x95: {  	v63 =	vmov s1;
	vm1 =	vlt.s32 v11, $0x3F  }
0x96: {  	v13 =	vshll.u32 v63, $0x3;
	v11 =	vnsel vm1, $0x3F, v11  }
0x97: {  	v13 =	vor.u32 v9, v13  }
0x98: {  	v14 =	vshrl.u32 v63, $0xA;
	v13 =	vand.u32 $0x1FF8, v13  }
0x99: {  	v13 =	vor.u32 v14, v13;
	v12 =	vshll.u32 v63, $0x7;
	s31 =	spop (v2sf)  }
0x9a: {  	v14 =	vor.u32 v1, v13;
	v13 =	vshrl.u32 v13, $0x3;
	v12 =	vand.u32 $0xE0000, v12;
	s0 =	sadd.s32 s0, s31  }
0x9b: {  	v12 =	vadd.s32 v12, v13;
	[tilespmem:v11+s17+$0x0] =	vst.idx.msk vm0, v14;
	p0 =	slt.s32 s0, $0x1  }
.Ltmp3:
0x9c: {  	[tilespmem:v11+s18+$0x0] =	vst.idx.msk vm0, v12;
	(pc) =	sbr.rel @p0 .LBB2_6-.Ltmp3, $4  }
0x9d: {  	[tilespmem:s20], [sflag:$0x1] =	stream.indirect.gather [hbm4b:s3+s19], $0x80, s17, s19, $0xb8;
	[tilespmem:$0x6B80] =	vst v63  }
0x9e: {  	_ =	swait.ge [sflag:s21], $0x2000  }
0x9f: {  	[sflag:s21] =	ssyncset.done $0x0  }
0xa0: {  	[sflag:s21] =	ssyncadd.s32 $0xFFFFE000  }
0xa1: {  	s30 =	smin.u32 s0, $0x40  }
0xa2: {  	s31 =	simm.s32 $0x0;
	s1 =	simm.s32 $0x940;
	s0 =	simm.s32 $0x0  }
.LBB2_5:
0xa3: {  	v11 =	vld [tilespmem:s1+$0xFFFFFFC0];
	_ =	sdelay $0x4  }
0xa4: {  	vm0 =	vge.f32 v11, v10  }
0xa5: {  	v12 =	vsel vm0, $0x1, v8  }
0xa6: {  	(xrf0) =	vadd.scan.msk.s32 $0xffff, v12;
	_ =	sdelay $0x2  }
0xa7: {  	v42 =	vmov s0  }
0xa8: {  	v12 =	vadd.s32 $0xFFFFFFFF, v42  }
0xa9: {  	v12 =	vbroadcast v12, $0x0  }
0xaa: {  	v13, _, _ =	vpop (xrf0)  }
0xab: {  	v12 =	vadd.s32 v13, v12  }
0xac: {  	vm1 =	vlt.s32 v12, $0x3F  }
0xad: {  	(v2sf) =	vpush v13, $0xF;
	v12 =	vnsel vm1, $0x3F, v12;
	_ =	sdelay $0x4  }
0xae: {  	[tilespmem:v12+s22+$0x0] =	vst.idx.msk vm0, v11;
	v11 =	vor.u32 s31, v0  }
0xaf: {  	[tilespmem:v12+s23+$0x0] =	vst.idx.msk vm0, v11  }
0xb0: {  	v11 =	vld [tilespmem:s1+$0xFFFFFFD0];
	_ =	sdelay $0x4  }
0xb1: {  	vm14 =	vge.f32 v11, v10  }
0xb2: {  	v43 =	vsel vm14, $0x1, v8  }
0xb3: {  	(xrf0) =	vadd.scan.msk.s32 $0xffff, v43  }
0xb4: {  	s13 =	spop (v2sf)  }
0xb5: {  	s0 =	sadd.s32 s0, s13  }
0xb6: {  	v44 =	vmov s0  }
0xb7: {  	v12 =	vadd.s32 $0xFFFFFFFF, v44  }
0xb8: {  	v12 =	vbroadcast v12, $0x0  }
0xb9: {  	v45, _, _ =	vpop (xrf0)  }
0xba: {  	v12 =	vadd.s32 v45, v12  }
0xbb: {  	vm15 =	vlt.s32 v12, $0x3F  }
0xbc: {  	(v2sf) =	vpush v45, $0xF;
	v12 =	vnsel vm15, $0x3F, v12;
	_ =	sdelay $0x3  }
0xbd: {  	s14 =	sadd.s32 $0x10, s31  }
0xbe: {  	[tilespmem:v12+s22+$0x0] =	vst.idx.msk vm14, v11;
	v11 =	vor.u32 s14, v0  }
0xbf: {  	[tilespmem:v12+s23+$0x0] =	vst.idx.msk vm14, v11  }
0xc0: {  	v11 =	vld [tilespmem:s1+$0xFFFFFFE0];
	_ =	sdelay $0x4  }
0xc1: {  	vm4 =	vge.f32 v11, v10  }
0xc2: {  	v46 =	vsel vm4, $0x1, v8  }
0xc3: {  	(xrf0) =	vadd.scan.msk.s32 $0xffff, v46  }
0xc4: {  	s14 =	spop (v2sf)  }
0xc5: {  	s0 =	sadd.s32 s0, s14  }
0xc6: {  	v47 =	vmov s0  }
0xc7: {  	v12 =	vadd.s32 $0xFFFFFFFF, v47  }
0xc8: {  	v12 =	vbroadcast v12, $0x0  }
0xc9: {  	v48, _, _ =	vpop (xrf0)  }
0xca: {  	v12 =	vadd.s32 v48, v12  }
0xcb: {  	vm5 =	vlt.s32 v12, $0x3F  }
0xcc: {  	(v2sf) =	vpush v48, $0xF;
	v12 =	vnsel vm5, $0x3F, v12;
	_ =	sdelay $0x3  }
0xcd: {  	s14 =	sadd.s32 $0x20, s31  }
0xce: {  	[tilespmem:v12+s22+$0x0] =	vst.idx.msk vm4, v11;
	v11 =	vor.u32 s14, v0  }
0xcf: {  	[tilespmem:v12+s23+$0x0] =	vst.idx.msk vm4, v11  }
0xd0: {  	v11 =	vld [tilespmem:s1+$0xFFFFFFF0];
	_ =	sdelay $0x4  }
0xd1: {  	vm6 =	vge.f32 v11, v10  }
0xd2: {  	v49 =	vsel vm6, $0x1, v8  }
0xd3: {  	(xrf0) =	vadd.scan.msk.s32 $0xffff, v49  }
0xd4: {  	s14 =	spop (v2sf)  }
0xd5: {  	s0 =	sadd.s32 s0, s14  }
0xd6: {  	v50 =	vmov s0  }
0xd7: {  	v12 =	vadd.s32 $0xFFFFFFFF, v50  }
0xd8: {  	v12 =	vbroadcast v12, $0x0  }
0xd9: {  	v51, _, _ =	vpop (xrf0)  }
0xda: {  	v12 =	vadd.s32 v51, v12  }
0xdb: {  	vm7 =	vlt.s32 v12, $0x3F  }
0xdc: {  	(v2sf) =	vpush v51, $0xF;
	v12 =	vnsel vm7, $0x3F, v12;
	_ =	sdelay $0x3  }
0xdd: {  	s14 =	sadd.s32 $0x30, s31  }
0xde: {  	[tilespmem:v12+s22+$0x0] =	vst.idx.msk vm6, v11;
	v11 =	vor.u32 s14, v0  }
0xdf: {  	[tilespmem:v12+s23+$0x0] =	vst.idx.msk vm6, v11  }
0xe0: {  	v11 =	vld [tilespmem:s1+$0x0];
	_ =	sdelay $0x4  }
0xe1: {  	vm8 =	vge.f32 v11, v10  }
0xe2: {  	v52 =	vsel vm8, $0x1, v8  }
0xe3: {  	(xrf0) =	vadd.scan.msk.s32 $0xffff, v52  }
0xe4: {  	s14 =	spop (v2sf)  }
0xe5: {  	s0 =	sadd.s32 s0, s14  }
0xe6: {  	v53 =	vmov s0  }
0xe7: {  	v12 =	vadd.s32 $0xFFFFFFFF, v53  }
0xe8: {  	v12 =	vbroadcast v12, $0x0  }
0xe9: {  	v54, _, _ =	vpop (xrf0)  }
0xea: {  	v12 =	vadd.s32 v54, v12  }
0xeb: {  	vm9 =	vlt.s32 v12, $0x3F  }
0xec: {  	(v2sf) =	vpush v54, $0xF;
	v12 =	vnsel vm9, $0x3F, v12;
	_ =	sdelay $0x3  }
0xed: {  	s14 =	sadd.s32 $0x40, s31  }
0xee: {  	[tilespmem:v12+s22+$0x0] =	vst.idx.msk vm8, v11;
	v11 =	vor.u32 s14, v0  }
0xef: {  	[tilespmem:v12+s23+$0x0] =	vst.idx.msk vm8, v11  }
0xf0: {  	v11 =	vld [tilespmem:s1+$0x10];
	_ =	sdelay $0x4  }
0xf1: {  	vm10 =	vge.f32 v11, v10  }
0xf2: {  	v55 =	vsel vm10, $0x1, v8  }
0xf3: {  	(xrf0) =	vadd.scan.msk.s32 $0xffff, v55  }
0xf4: {  	s14 =	spop (v2sf)  }
0xf5: {  	s0 =	sadd.s32 s0, s14  }
0xf6: {  	v56 =	vmov s0  }
0xf7: {  	v12 =	vadd.s32 $0xFFFFFFFF, v56  }
0xf8: {  	v12 =	vbroadcast v12, $0x0  }
0xf9: {  	v57, _, _ =	vpop (xrf0)  }
0xfa: {  	v12 =	vadd.s32 v57, v12  }
0xfb: {  	vm11 =	vlt.s32 v12, $0x3F  }
0xfc: {  	(v2sf) =	vpush v57, $0xF;
	v12 =	vnsel vm11, $0x3F, v12;
	_ =	sdelay $0x3  }
0xfd: {  	s14 =	sadd.s32 $0x50, s31  }
0xfe: {  	[tilespmem:v12+s22+$0x0] =	vst.idx.msk vm10, v11;
	v11 =	vor.u32 s14, v0  }
0xff: {  	[tilespmem:v12+s23+$0x0] =	vst.idx.msk vm10, v11  }
0x100: {  	v11 =	vld [tilespmem:s1+$0x20];
	_ =	sdelay $0x4  }
0x101: {  	vm12 =	vge.f32 v11, v10  }
0x102: {  	v58 =	vsel vm12, $0x1, v8  }
0x103: {  	(xrf0) =	vadd.scan.msk.s32 $0xffff, v58  }
0x104: {  	s14 =	spop (v2sf)  }
0x105: {  	s0 =	sadd.s32 s0, s14  }
0x106: {  	v59 =	vmov s0  }
0x107: {  	v12 =	vadd.s32 $0xFFFFFFFF, v59  }
0x108: {  	v12 =	vbroadcast v12, $0x0  }
0x109: {  	v60, _, _ =	vpop (xrf0)  }
0x10a: {  	v12 =	vadd.s32 v60, v12  }
0x10b: {  	vm13 =	vlt.s32 v12, $0x3F  }
0x10c: {  	v12 =	vnsel vm13, $0x3F, v12;
	_ =	sdelay $0x3  }
0x10d: {  	s14 =	sadd.s32 $0x60, s31  }
0x10e: {  	[tilespmem:v12+s22+$0x0] =	vst.idx.msk vm12, v11;
	v11 =	vor.u32 s14, v0  }
0x10f: {  	[tilespmem:v12+s23+$0x0] =	vst.idx.msk vm12, v11  }
0x110: {  	v11 =	vld [tilespmem:s1+$0x30]  }
0x111: {  	(v2sf) =	vpush v60, $0xF;
	_ =	sdelay $0x3  }
0x112: {  	vm14 =	vge.f32 v11, v10  }
0x113: {  	v61 =	vsel vm14, $0x1, v8  }
0x114: {  	(xrf0) =	vadd.scan.msk.s32 $0xffff, v61;
	_ =	sdelay $0x5  }
0x115: {  	v12, _, _ =	vpop (xrf0)  }
0x116: {  	(v2sf) =	vpush v12, $0xF;
	_ =	sdelay $0x1  }
0x117: {  	s14 =	spop (v2sf)  }
0x118: {  	s0 =	sadd.s32 s0, s14  }
0x119: {  	v62 =	vmov s0  }
0x11a: {  	v13 =	vadd.s32 $0xFFFFFFFF, v62  }
0x11b: {  	v13 =	vbroadcast v13, $0x0;
	_ =	sdelay $0x1  }
0x11c: {  	v12 =	vadd.s32 v12, v13  }
0x11d: {  	vm15 =	vlt.s32 v12, $0x3F  }
0x11e: {  	v12 =	vnsel vm15, $0x3F, v12  }
0x11f: {  	p0 =	seq.s32 s30, $0x1  }
.Ltmp4:
0x120: {  	_ = 	snop;
	(pc) =	sbr.rel @!p0 .LBB2_5-.Ltmp4, $4  }
0x121: {  	_ = 	snop  }
0x122: {  	s13 =	sadd.s32 $0x70, s31  }
0x123: {  	s30 =	sadd.s32 $0xFFFFFFFF, s30;
	v63 =	vor.u32 s13, v0;
	[tilespmem:v12+s22+$0x0] =	vst.idx.msk vm14, v11;
	s14 =	spop (v2sf)  }
0x124: {  	s31 =	sadd.s32 $0x80, s31;
	s1 =	sadd.s32 $0x80, s1;
	[tilespmem:v12+s23+$0x0] =	vst.idx.msk vm14, v63;
	s0 =	sadd.s32 s0, s14  }
.Ltmp5:
0x125: {  	_ = 	snop;
	(pc) =	sbr.rel .LBB2_6-.Ltmp5, $1  }
0x126: {  	_ =	sdelay $0x3  }
.LBB2_7:
0x127: {  	_ =	sfence.sel $0x180000  }
0x128: {  	[bflag:$0x0] =	sbarrier.arrive $0xFFFF  }
0x129: {  	_ =	strace $0x90000047  }
0x12a: {  	s0 =	stileid.u32;
	[bflag:$0x2] =	sbarrier.arrive $0xFFFF  }
0x12b: {  	p0 =	sne.s32 s0, $0x0;
	s0 =	rddreg [dreg:$0x2]  }
0x12c: {  	s0 =	sadd.s32 @!p0 $0x100000, s0  }
0x12d: {  	[sflag:s0] =	ssyncadd.tile.s32 @!p0 $0x1;
	_ =	shalt  }
.Lfunc_end2:
_tile_overlayer_lowered:
.L_overlay_start_2:
0x12e: {  	(tag) =	ssettag $0x2  }
0x12f: {  	s0 =	rddreg [dreg:$0x0];
	s2 =	stileid.u32  }
0x130: {  	s1 =	rddreg [dreg:$0x1];
	p0 =	sne.s32 s2, $0x0  }
0x131: {  	s3 =	rddreg [dreg:$0x2];
	[bflag:$0x3] =	sbarrier.arrive $0xFFFF;
	s2 =	simm.s32 @!p0 $0x1C02  }
0x132: {  	[timem:s3], [sflag:s2] =	dma.local @!p0 [hbm:s0], s1  }
0x133: {  	s0 =	simm.s32 @!p0 $0x2  }
0x134: {  	_ =	swait.ge @!p0 [sflag:s0], s1  }
0x135: {  	s1 =	ssub.s32 @!p0 $0x0, s1;
	[sflag:s0] =	ssyncset.done @!p0 $0x0  }
0x136: {  	[sflag:s0] =	ssyncadd.s32 @!p0 s1  }
0x137: {  	[bflag:$0x3] =	sbarrier.arrive $0xFFFF  }
0x138: {  	_ =	shalt  }

</sc_bundles>
